<compile_context>
chip_gen: v7x
topology: tpu7x:2x2x1
jax: 0.10.2.dev20260603
libtpu: 0.0.44.dev20260713+nightly
codegen_flags: <defaults>
</compile_context>

<pallas_src>
import functools

import jax
import jax.numpy as jnp
import numpy as np
from jax.experimental import pallas as pl
from jax.experimental.pallas import tpu as pltpu
from jax.sharding import Mesh, PartitionSpec as P

_CDT = jnp.bfloat16


def _mm(a, b):
    return jax.lax.dot_general(
        a.astype(_CDT), b.astype(_CDT),
        ((( 1,), (0,)), ((), ())),
        preferred_element_type=jnp.float32)


def _stats_body(x_ref, ea_ref, sx_ref, se_ref):
    g = pl.program_id(0)
    xb = x_ref[0]
    eb = ea_ref[0]
    px1 = jnp.sum(xb, axis=0, keepdims=True)
    px2 = jnp.sum(xb * xb, axis=0, keepdims=True)
    pe1 = jnp.sum(eb, axis=0, keepdims=True)
    pe2 = jnp.sum(eb * eb, axis=0, keepdims=True)

    @pl.when(g == 0)
    def _init():
        sx_ref[...] = jnp.zeros_like(sx_ref)
        se_ref[...] = jnp.zeros_like(se_ref)

    sx_ref[0:1, :] += px1
    sx_ref[1:2, :] += px2
    se_ref[0:1, :] += pe1
    se_ref[1:2, :] += pe2


def _bn_scale_shift(s1, s2, n, gamma, beta):
    mu = s1 / n
    var = s2 / n - mu * mu
    sc = gamma * jax.lax.rsqrt(var + 1e-5)
    return sc, beta - mu * sc


def _main_body(nw, names, npg, mpg, gpb,
               x_ref, ea_ref, rowT_ref, colT_ref, colH_ref,
               selr_ref, selc_ref, selp_ref, bnx_ref, bne_ref,
               *rest):
    w = dict(zip(names, rest[:nw]))
    out_ref = rest[nw]

    def W(name):
        return w[name][...]

    for sub in range(gpb):
        x = x_ref[sub] * bnx_ref[0:1, :] + bnx_ref[1:2, :]
        e2 = (ea_ref[sub] * bne_ref[0:1, :] + bne_ref[1:2, :]).astype(_CDT)

        rowT = rowT_ref[sub]
        colT = colT_ref[sub]
        colH = colH_ref[sub]
        iota_en = jax.lax.broadcasted_iota(jnp.int32, (mpg, npg), 1)
        p_row = (iota_en == rowT).astype(_CDT)
        p_col = (iota_en == colT).astype(_CDT)
        mask_s = jax.lax.broadcasted_iota(jnp.int32, (npg, mpg), 0) == colH
        p_scat = mask_s.astype(_CDT)
        cnt = jnp.sum(mask_s.astype(jnp.float32), axis=1, keepdims=True)
        inv_cnt = 1.0 / jnp.maximum(cnt, 1.0)
        nz = cnt * inv_cnt

        for i in range(1, 6):
            xb = x.astype(_CDT)
            xall = _mm(xb, W(f'x{i}_all'))
            xwr = xall[:, 0:128].astype(_CDT)
            xwc = xall[:, 128:256].astype(_CDT)
            xmx = xall[:, 256:512].astype(_CDT)
            et = (_mm(e2, W('e1_wea')) if i == 1
                  else _mm(e2, W(f'e{i}_we')))
            t = _mm(p_row, xwr) + _mm(p_col, xwc) + et + W(f'e{i}_b1')
            t = jnp.maximum(t, 0.0)
            e2 = jnp.maximum(_mm(t, W(f'e{i}_w2')) + W(f'e{i}_b2'),
                             0.0).astype(_CDT)
            h = jnp.maximum(_mm(p_row, xmx) + _mm(e2, W(f'n{i}_w3me'))
                            + W(f'n{i}_c1'), 0.0)
            h = jnp.maximum(_mm(h, W(f'n{i}_m2')) + W(f'n{i}_c2'), 0.0)
            agg = _mm(p_scat, h) * inv_cnt
            z = jnp.maximum(xall[:, 512:768] + _mm(agg, W(f'n{i}_m3na'))
                            + nz * W(f'n{i}_c3na') + W(f'n{i}_d1'), 0.0)
            x = _mm(z, W(f'n{i}_n2')) + W(f'n{i}_d2')

        selr = selr_ref[sub]
        selc = selc_ref[sub]
        selp = selp_ref[sub]
        iota_sn = jax.lax.broadcasted_iota(jnp.int32, (8, npg), 1)
        iota_se = jax.lax.broadcasted_iota(jnp.int32, (8, mpg), 1)
        xb = x.astype(_CDT)
        xr6 = _mm((iota_sn == selr).astype(_CDT), xb).astype(_CDT)
        xc6 = _mm((iota_sn == selc).astype(_CDT), xb).astype(_CDT)
        e2s = _mm((iota_se == selp).astype(_CDT), e2).astype(_CDT)
        t = (_mm(xr6, W('e6_wr')) + _mm(xc6, W('e6_wc'))
             + _mm(e2s, W('e6_we')) + W('e6_b1'))
        t = jnp.maximum(t, 0.0)
        t = jnp.maximum(_mm(t, W('e6_w2')) + W('e6_b2'), 0.0)
        t = _mm(t, W('e6_w3')) + W('e6_b3')
        pooled = jnp.sum(t[0:2, :], axis=0, keepdims=True)
        y = jnp.maximum(_mm(pooled, W('l1_w')) + W('l1_b'), 0.0)
        y = _mm(y, W('l2_w')) + W('l2_b')
        out_ref[sub] = y.astype(jnp.float32)


def kernel(x, edge_index, edge_attr, g, e_target, edge_type, batch, params):
    B = g.shape[0]
    N, DN = x.shape
    E, DE = edge_attr.shape
    NPG = N // B
    MPG = E // B

    row = edge_index[0].astype(jnp.int32).reshape(B, MPG)
    col = edge_index[1].astype(jnp.int32).reshape(B, MPG)
    node_off = (jnp.arange(B, dtype=jnp.int32) * NPG)[:, None]
    row_l = row - node_off
    col_l = col - node_off
    sel_idx = jnp.nonzero(edge_type == 0, size=2 * B)[0].astype(jnp.int32)
    pos_l = sel_idx.reshape(B, 2) % MPG
    rsel = jnp.take_along_axis(row_l, pos_l, axis=1)
    csel = jnp.take_along_axis(col_l, pos_l, axis=1)
    pad = jnp.zeros((B, 6), jnp.int32)
    selr = jnp.concatenate([rsel, pad], axis=1).reshape(B, 8, 1)
    selc = jnp.concatenate([csel, pad], axis=1).reshape(B, 8, 1)
    selp = jnp.concatenate([pos_l, pad], axis=1).reshape(B, 8, 1)

    x3 = x.reshape(B, NPG, DN)
    ea3 = edge_attr.reshape(B, MPG, DE)

    names, arrays = [], []

    def add_w(name, arr):
        names.append(name)
        arrays.append(arr.astype(_CDT))

    def add_b(name, arr):
        names.append(name)
        arrays.append(arr.reshape(1, -1).astype(jnp.float32))

    w3_prev = None
    b3_prev = None
    for i in range(1, 7):
        p = params[f'meta{i}']
        (W1, b1), (W2, b2), (W3, b3) = p['edge']
        we = W1[:, 2 * DN:].T
        if w3_prev is None:
            add_w(f'e{i}_wea', we)
            add_b(f'e{i}_b1', b1)
        else:
            add_w(f'e{i}_we', w3_prev @ we)
            add_b(f'e{i}_b1', b1 + b3_prev @ we)
        add_w(f'e{i}_w2', W2.T)
        add_b(f'e{i}_b2', b2)
        w3t = W3.T
        if 'node' in p:
            (M1, c1), (M2, c2), (M3, c3) = p['node']['m1']
            (N1, d1), (N2, d2) = p['node']['m2']
            add_w(f'x{i}_all', jnp.concatenate(
                [W1[:, :DN].T, W1[:, DN:2 * DN].T,
                 M1[:, :DN].T, N1[:, :DN].T], axis=1))
            me = M1[:, DN:].T
            add_w(f'n{i}_w3me', w3t @ me)
            add_b(f'n{i}_c1', c1 + b3 @ me)
            add_w(f'n{i}_m2', M2.T)
            add_b(f'n{i}_c2', c2)
            na = N1[:, DN:].T
            add_w(f'n{i}_m3na', M3.T @ na)
            add_b(f'n{i}_c3na', c3 @ na)
            add_b(f'n{i}_d1', d1)
            add_w(f'n{i}_n2', N2.T)
            add_b(f'n{i}_d2', d2)
            w3_prev, b3_prev = w3t, b3
        else:
            add_w(f'e{i}_wr', W1[:, :DN].T)
            add_w(f'e{i}_wc', W1[:, DN:2 * DN].T)
            add_w(f'e{i}_w3', w3t)
            add_b(f'e{i}_b3', b3)
    add_w('l1_w', params['lin1'][0].T)
    add_b('l1_b', params['lin1'][1])
    add_w('l2_w', params['lin2'][0].T)
    add_b('l2_b', params['lin2'][1])
    nw = len(names)

    GPB = 1
    const = lambda shape: pl.BlockSpec(shape, lambda i: tuple(0 for _ in shape))
    in_specs = [
        pl.BlockSpec((GPB, NPG, DN), lambda i: (i, 0, 0)),
        pl.BlockSpec((GPB, MPG, DE), lambda i: (i, 0, 0)),
        pl.BlockSpec((GPB, MPG, 1), lambda i: (i, 0, 0)),
        pl.BlockSpec((GPB, MPG, 1), lambda i: (i, 0, 0)),
        pl.BlockSpec((GPB, 1, MPG), lambda i: (i, 0, 0)),
        pl.BlockSpec((GPB, 8, 1), lambda i: (i, 0, 0)),
        pl.BlockSpec((GPB, 8, 1), lambda i: (i, 0, 0)),
        pl.BlockSpec((GPB, 8, 1), lambda i: (i, 0, 0)),
        const((8, DN)),
        const((8, DE)),
    ] + [const(a.shape) for a in arrays]

    devs = jax.devices()
    ndev = len(devs)
    while B % ndev != 0:
        ndev -= 1
    b_loc = B // ndev
    steps = -(-b_loc // GPB)
    b_loc_p = steps * GPB
    Bp = b_loc_p * ndev

    def _pad(a):
        if Bp == B:
            return a
        return jnp.concatenate([a, a[:Bp - B]], axis=0)

    def call(x3l, ea3l, rowTl, colTl, colHl, selrl, selcl, selpl,
             x3f, ea3f, gx, betax, ge, betae, *warrs):
        sum_x, sum_e = pl.pallas_call(
            _stats_body,
            grid=(B,),
            in_specs=[
                pl.BlockSpec((1, NPG, DN), lambda i: (i, 0, 0)),
                pl.BlockSpec((1, MPG, DE), lambda i: (i, 0, 0)),
            ],
            out_specs=[
                pl.BlockSpec((8, DN), lambda i: (0, 0)),
                pl.BlockSpec((8, DE), lambda i: (0, 0)),
            ],
            out_shape=[
                jax.ShapeDtypeStruct((8, DN), jnp.float32),
                jax.ShapeDtypeStruct((8, DE), jnp.float32),
            ],
        )(x3f, ea3f)
        sx, bx = _bn_scale_shift(sum_x[0], sum_x[1], float(N), gx, betax)
        se, be = _bn_scale_shift(sum_e[0], sum_e[1], float(E), ge, betae)
        bnx = jnp.concatenate([sx[None, :], bx[None, :],
                               jnp.zeros((6, DN), jnp.float32)], axis=0)
        bne = jnp.concatenate([se[None, :], be[None, :],
                               jnp.zeros((6, DE), jnp.float32)], axis=0)
        return pl.pallas_call(
            functools.partial(_main_body, nw, tuple(names), NPG, MPG, GPB),
            grid=(steps,),
            in_specs=in_specs,
            out_specs=pl.BlockSpec((GPB, 1, 1), lambda i: (i, 0, 0)),
            out_shape=jax.ShapeDtypeStruct((b_loc_p, 1, 1), jnp.float32),
            compiler_params=pltpu.CompilerParams(
                dimension_semantics=("parallel",)),
        )(x3l, ea3l, rowTl, colTl, colHl, selrl, selcl, selpl,
          bnx, bne, *warrs)

    operands = (_pad(x3), _pad(ea3),
                _pad(row_l.reshape(B, MPG, 1)), _pad(col_l.reshape(B, MPG, 1)),
                _pad(col_l.reshape(B, 1, MPG)),
                _pad(selr), _pad(selc), _pad(selp),
                x3, ea3,
                params['bn_node'][0], params['bn_node'][1],
                params['bn_edge'][0], params['bn_edge'][1], *arrays)
    if ndev > 1:
        mesh = Mesh(np.array(devs[:ndev]), ('d',))
        sharded = (P('d'),) * 8 + (P(),) * (6 + len(arrays))
        call = jax.shard_map(call, mesh=mesh, in_specs=sharded,
                             out_specs=P('d'), check_vma=False)
    y3 = call(*operands)
    return y3.reshape(Bp, 1)[:B]

# --- scband reference (transcript-rebuilt; emitter-appended) ---
"""Pipeline reference for scband-net-13486197310235 (READ-ONLY COPY).

The authoritative reference and input builder live on the scoring server;
editing this copy changes nothing except your own understanding.
"""

import jax, jax.numpy as jnp
import numpy as np

B = 50
NPG = 200
MPG = 3200
N = B * NPG
E = B * MPG
DN = 128
DE = 16

def _lin(key, fin, fout):
    k1, k2 = jax.random.split(key)
    lim = 1.0 / np.sqrt(fin)
    W = jax.random.uniform(k1, (fout, fin), minval=-lim, maxval=lim, dtype=jnp.float32)
    b = jax.random.uniform(k2, (fout,), minval=-lim, maxval=lim, dtype=jnp.float32)
    return (W, b)

def _edge_p(key, nf, ef, out):
    ks = jax.random.split(key, 3)
    return [_lin(ks[0], 2 * nf + ef, 128), _lin(ks[1], 128, 128), _lin(ks[2], 128, out)]

def _node_p(key, nf, ef_out, out):
    ks = jax.random.split(key, 5)
    return {'m1': [_lin(ks[0], nf + ef_out, 256), _lin(ks[1], 256, 256), _lin(ks[2], 256, 256)], 'm2': [_lin(ks[3], nf + 256, 256), _lin(ks[4], 256, out)]}

def _glob_p(key, nf, gf, out):
    ks = jax.random.split(key, 3)
    return [_lin(ks[0], gf + nf, 256), _lin(ks[1], 256, 256), _lin(ks[2], 256, out)]

def _make_params(key):
    ks = jax.random.split(key, 20)
    params = {}
    params['bn_node'] = (jnp.ones((DN,), jnp.float32), jnp.zeros((DN,), jnp.float32))
    params['bn_edge'] = (jnp.ones((DE,), jnp.float32), jnp.zeros((DE,), jnp.float32))
    params['meta1'] = {'edge': _edge_p(ks[0], DN, DE, 512), 'node': _node_p(ks[1], DN, 512, 128), 'glob': _glob_p(ks[2], 128, 1, 128)}
    idx = 3
    for i in range(2, 6):
        params['meta' + str(i)] = {'edge': _edge_p(ks[idx], 128, 512, 512), 'node': _node_p(ks[idx + 1], 128, 512, 128), 'glob': _glob_p(ks[idx + 2], 128, 128, 128)}
        idx += 3
    params['meta6'] = {'edge': _edge_p(ks[idx], 128, 512, 128)}
    params['lin1'] = _lin(ks[idx + 1], 128, 128)
    params['lin2'] = _lin(ks[idx + 2], 128, 1)
    return params

def setup_inputs(seed: int = 0):
    key = jax.random.key(seed)
    ks = jax.random.split(key, 8)
    x = jax.random.normal(ks[0], (N, DN), dtype=jnp.float32)
    off = jnp.repeat(jnp.arange(B) * NPG, MPG)
    src = jax.random.randint(ks[1], (E,), 0, NPG) + off
    dst = jax.random.randint(ks[2], (E,), 0, NPG) + off
    edge_index = jnp.stack([src, dst], axis=0)
    edge_attr = jax.random.normal(ks[3], (E, DE), dtype=jnp.float32)
    g = jnp.ones((B, 1), dtype=jnp.float32)
    e_target = jax.random.normal(ks[4], (B, 1), dtype=jnp.float32)
    blk = jnp.concatenate([jnp.zeros((2,), jnp.int32), jnp.ones((MPG - 2,), jnp.int32)])
    edge_type = jnp.tile(blk, B)
    batch = jnp.repeat(jnp.arange(B), NPG)
    params = _make_params(ks[5])
    return {'x': x, 'edge_index': edge_index, 'edge_attr': edge_attr, 'g': g, 'e_target': e_target, 'edge_type': edge_type, 'batch': batch, 'params': params}

def _mlp(layers, h):
    n = len(layers)
    for i in range(n):
        W, b = layers[i]
        h = h @ W.T + b
        if i < n - 1:
            h = jax.nn.relu(h)
    return h

def _scatter_mean(src, idx, size):
    s = jax.ops.segment_sum(src, idx, num_segments=size)
    cnt = jax.ops.segment_sum(jnp.ones((src.shape[0],), src.dtype), idx, num_segments=size)
    return s / jnp.maximum(cnt, 1.0)[:, None]

def _bn(h, gamma, beta):
    mu = jnp.mean(h, axis=0)
    var = jnp.mean((h - mu) ** 2, axis=0)
    return (h - mu) / jnp.sqrt(var + 1e-05) * gamma + beta

def _meta(x, edge_index, e, u, batch, p):
    row = edge_index[0]
    col = edge_index[1]
    e = _mlp(p['edge'], jnp.concatenate([x[row], x[col], e], axis=1))
    if 'node' in p:
        h = _mlp(p['node']['m1'], jnp.concatenate([x[row], e], axis=1))
        agg = _scatter_mean(h, col, x.shape[0])
        x = _mlp(p['node']['m2'], jnp.concatenate([x, agg], axis=1))
    if 'glob' in p:
        u = _mlp(p['glob'], jnp.concatenate([u, _scatter_mean(x, batch, u.shape[0])], axis=1))
    return x, e, u

def _forward(x, edge_attr, g, params, edge_index, sel_idx, eb, batch, count):
    x = _bn(x, params['bn_node'][0], params['bn_node'][1])
    e = _bn(edge_attr, params['bn_edge'][0], params['bn_edge'][1])
    u = g
    for name in ['meta1', 'meta2', 'meta3', 'meta4', 'meta5']:
        x, e, u = _meta(x, edge_index, e, u, batch, params[name])
    _x, e, _u = _meta(x, edge_index, e, u, batch, params['meta6'])
    selected = e[sel_idx]
    pooled = jax.ops.segment_sum(selected, eb, num_segments=count)
    W1, b1 = params['lin1']
    W2, b2 = params['lin2']
    y = pooled @ W1.T + b1
    y = jax.nn.relu(y) @ W2.T + b2
    return y

def reference(x, edge_index, edge_attr, g, e_target, edge_type, batch, params):
    count = e_target.shape[0]
    sel_idx = jnp.nonzero(edge_type == 0, size=2 * count)[0]
    eb = jnp.repeat(jnp.arange(count), 2)
    return _forward(x, edge_attr, g, params, edge_index, sel_idx, eb, batch, count)

if __name__ == "__main__":
    import jax
    _d = setup_inputs()
    print(jax.jit(kernel)(*tuple(_d.values())))

</pallas_src>

<mosaic_0001>
module attributes {stable_mosaic.version = 14 : i64} {
  func.func @_stats_body(%arg0: i32, %arg1: memref<1x200x128xf32, #tpu.memory_space<vmem>>, %arg2: memref<1x3200x16xf32, #tpu.memory_space<vmem>>, %arg3: memref<8x128xf32, #tpu.memory_space<vmem>>, %arg4: memref<8x16xf32, #tpu.memory_space<vmem>>) attributes {dimension_semantics = [#tpu.dimension_semantics<arbitrary>], iteration_bounds = array<i64: 50>, scalar_prefetch = 0 : i64, scratch_operands = 0 : i64, tpu.core_type = #tpu.core_type<tc>, window_params = [{transform_indices = @transform_0, window_bounds = array<i64: 1, 200, 128>}, {transform_indices = @transform_1, window_bounds = array<i64: 1, 3200, 16>}, {pipeline_mode = #tpu.pipeline_mode<synchronous>, transform_indices = @transform_2, window_bounds = array<i64: 8, 128>}, {pipeline_mode = #tpu.pipeline_mode<synchronous>, transform_indices = @transform_3, window_bounds = array<i64: 8, 16>}]} {
    %get3A = arith.constant 0 : index
    %get3A_0 = arith.constant 0 : index
    %get3A_1 = arith.constant 0 : index
    %get3A_2 = vector.load %arg1[%get3A, %get3A_0, %get3A_1] : memref<1x200x128xf32, #tpu.memory_space<vmem>>, vector<1x200x128xf32>
    %get3A_3 = vector.shape_cast %get3A_2 : vector<1x200x128xf32> to vector<200x128xf32>
    %get3A_4 = arith.constant 0 : index
    %get3A_5 = arith.constant 0 : index
    %get3A_6 = arith.constant 0 : index
    %get3A_7 = vector.load %arg2[%get3A_4, %get3A_5, %get3A_6] : memref<1x3200x16xf32, #tpu.memory_space<vmem>>, vector<1x3200x16xf32>
    %get3A_8 = vector.shape_cast %get3A_7 : vector<1x3200x16xf32> to vector<3200x16xf32>
    %reduce_sum3A = arith.constant dense<0.000000e+00> : vector<128xf32>
    %reduce_sum3A_9 = vector.multi_reduction <add>, %get3A_3, %reduce_sum3A [0] : vector<200x128xf32> to vector<128xf32>
    %broadcast_in_dim3A = vector.shape_cast %reduce_sum3A_9 : vector<128xf32> to vector<1x128xf32>
    %mul3A = arith.mulf %get3A_3, %get3A_3 : vector<200x128xf32>
    %reduce_sum3A_10 = arith.constant dense<0.000000e+00> : vector<128xf32>
    %reduce_sum3A_11 = vector.multi_reduction <add>, %mul3A, %reduce_sum3A_10 [0] : vector<200x128xf32> to vector<128xf32>
    %broadcast_in_dim3A_12 = vector.shape_cast %reduce_sum3A_11 : vector<128xf32> to vector<1x128xf32>
    %reduce_sum3A_13 = arith.constant dense<0.000000e+00> : vector<16xf32>
    %reduce_sum3A_14 = vector.multi_reduction <add>, %get3A_8, %reduce_sum3A_13 [0] : vector<3200x16xf32> to vector<16xf32>
    %broadcast_in_dim3A_15 = vector.shape_cast %reduce_sum3A_14 : vector<16xf32> to vector<1x16xf32>
    %mul3A_16 = arith.mulf %get3A_8, %get3A_8 : vector<3200x16xf32>
    %reduce_sum3A_17 = arith.constant dense<0.000000e+00> : vector<16xf32>
    %reduce_sum3A_18 = vector.multi_reduction <add>, %mul3A_16, %reduce_sum3A_17 [0] : vector<3200x16xf32> to vector<16xf32>
    %broadcast_in_dim3A_19 = vector.shape_cast %reduce_sum3A_18 : vector<16xf32> to vector<1x16xf32>
    %eq3A = arith.constant 0 : i32
    %eq3A_20 = arith.cmpi eq, %arg0, %eq3A : i32
    %convert_element_type3A = arith.extui %eq3A_20 : i1 to i32
    %cond3A = arith.constant 0 : i32
    %cond3A_21 = arith.cmpi ne, %convert_element_type3A, %cond3A : i32
    scf.if %cond3A_21 {
      %broadcast_in_dim3A_48 = arith.constant 0.000000e+00 : f32
      %broadcast_in_dim3A_49 = vector.broadcast %broadcast_in_dim3A_48 : f32 to vector<8x128xf32>
      %swap3A_50 = arith.constant 0 : index
      %swap3A_51 = arith.constant 0 : index
      %swap3A_52 = vector.load %arg3[%swap3A_50, %swap3A_51] : memref<8x128xf32, #tpu.memory_space<vmem>>, vector<8x128xf32>
      tpu.vector_store %arg3[%swap3A_50, %swap3A_51], %broadcast_in_dim3A_49 {strides = array<i32>} : memref<8x128xf32, #tpu.memory_space<vmem>>, vector<8x128xf32>,
      %broadcast_in_dim3A_53 = arith.constant 0.000000e+00 : f32
      %broadcast_in_dim3A_54 = vector.broadcast %broadcast_in_dim3A_53 : f32 to vector<8x16xf32>
      %swap3A_55 = arith.constant 0 : index
      %swap3A_56 = arith.constant 0 : index
      %swap3A_57 = vector.load %arg4[%swap3A_55, %swap3A_56] : memref<8x16xf32, #tpu.memory_space<vmem>>, vector<8x16xf32>
      tpu.vector_store %arg4[%swap3A_55, %swap3A_56], %broadcast_in_dim3A_54 {strides = array<i32>} : memref<8x16xf32, #tpu.memory_space<vmem>>, vector<8x16xf32>,
    } else {
    }
    %get3A_22 = arith.constant 0 : index
    %get3A_23 = arith.constant 0 : index
    %get3A_24 = vector.load %arg3[%get3A_22, %get3A_23] : memref<8x128xf32, #tpu.memory_space<vmem>>, vector<1x128xf32>
    %add3A = arith.addf %get3A_24, %broadcast_in_dim3A : vector<1x128xf32>
    %swap3A = arith.constant 0 : index
    %swap3A_25 = arith.constant 0 : index
    %swap3A_26 = vector.load %arg3[%swap3A, %swap3A_25] : memref<8x128xf32, #tpu.memory_space<vmem>>, vector<1x128xf32>
    tpu.vector_store %arg3[%swap3A, %swap3A_25], %add3A {strides = array<i32>} : memref<8x128xf32, #tpu.memory_space<vmem>>, vector<1x128xf32>,
    %get3A_27 = arith.constant 1 : index
    %get3A_28 = arith.constant 0 : index
    %get3A_29 = vector.load %arg3[%get3A_27, %get3A_28] : memref<8x128xf32, #tpu.memory_space<vmem>>, vector<1x128xf32>
    %add3A_30 = arith.addf %get3A_29, %broadcast_in_dim3A_12 : vector<1x128xf32>
    %swap3A_31 = arith.constant 1 : index
    %swap3A_32 = arith.constant 0 : index
    %swap3A_33 = vector.load %arg3[%swap3A_31, %swap3A_32] : memref<8x128xf32, #tpu.memory_space<vmem>>, vector<1x128xf32>
    tpu.vector_store %arg3[%swap3A_31, %swap3A_32], %add3A_30 {strides = array<i32>} : memref<8x128xf32, #tpu.memory_space<vmem>>, vector<1x128xf32>,
    %get3A_34 = arith.constant 0 : index
    %get3A_35 = arith.constant 0 : index
    %get3A_36 = vector.load %arg4[%get3A_34, %get3A_35] : memref<8x16xf32, #tpu.memory_space<vmem>>, vector<1x16xf32>
    %add3A_37 = arith.addf %get3A_36, %broadcast_in_dim3A_15 : vector<1x16xf32>
    %swap3A_38 = arith.constant 0 : index
    %swap3A_39 = arith.constant 0 : index
    %swap3A_40 = vector.load %arg4[%swap3A_38, %swap3A_39] : memref<8x16xf32, #tpu.memory_space<vmem>>, vector<1x16xf32>
    tpu.vector_store %arg4[%swap3A_38, %swap3A_39], %add3A_37 {strides = array<i32>} : memref<8x16xf32, #tpu.memory_space<vmem>>, vector<1x16xf32>,
    %get3A_41 = arith.constant 1 : index
    %get3A_42 = arith.constant 0 : index
    %get3A_43 = vector.load %arg4[%get3A_41, %get3A_42] : memref<8x16xf32, #tpu.memory_space<vmem>>, vector<1x16xf32>
    %add3A_44 = arith.addf %get3A_43, %broadcast_in_dim3A_19 : vector<1x16xf32>
    %swap3A_45 = arith.constant 1 : index
    %swap3A_46 = arith.constant 0 : index
    %swap3A_47 = vector.load %arg4[%swap3A_45, %swap3A_46] : memref<8x16xf32, #tpu.memory_space<vmem>>, vector<1x16xf32>
    tpu.vector_store %arg4[%swap3A_45, %swap3A_46], %add3A_44 {strides = array<i32>} : memref<8x16xf32, #tpu.memory_space<vmem>>, vector<1x16xf32>,
    return
  }
  func.func @transform_0(%arg0: i32) -> (i32, i32, i32) {
    %c0_i32 = arith.constant 0 : i32
    %c0_i32_0 = arith.constant 0 : i32
    %c0_i32_1 = arith.constant 0 : i32
    return %arg0, %c0_i32, %c0_i32_0 : i32, i32, i32
  }
  func.func @transform_1(%arg0: i32) -> (i32, i32, i32) {
    %c0_i32 = arith.constant 0 : i32
    %c0_i32_0 = arith.constant 0 : i32
    %c0_i32_1 = arith.constant 0 : i32
    return %arg0, %c0_i32, %c0_i32_0 : i32, i32, i32
  }
  func.func @transform_2(%arg0: i32) -> (i32, i32) {
    %c0_i32 = arith.constant 0 : i32
    %c0_i32_0 = arith.constant 0 : i32
    %c0_i32_1 = arith.constant 0 : i32
    return %c0_i32, %c0_i32_0 : i32, i32
  }
  func.func @transform_3(%arg0: i32) -> (i32, i32) {
    %c0_i32 = arith.constant 0 : i32
    %c0_i32_0 = arith.constant 0 : i32
    %c0_i32_1 = arith.constant 0 : i32
    return %c0_i32, %c0_i32_0 : i32, i32
  }
}

module attributes {stable_mosaic.version = 14 : i64} {
  func.func @_main_body(%arg0: i32, %arg1: memref<1x200x128xf32, #tpu.memory_space<vmem>>, %arg2: memref<1x3200x16xf32, #tpu.memory_space<vmem>>, %arg3: memref<1x3200x1xi32, #tpu.memory_space<vmem>>, %arg4: memref<1x3200x1xi32, #tpu.memory_space<vmem>>, %arg5: memref<1x1x3200xi32, #tpu.memory_space<vmem>>, %arg6: memref<1x8x1xi32, #tpu.memory_space<vmem>>, %arg7: memref<1x8x1xi32, #tpu.memory_space<vmem>>, %arg8: memref<1x8x1xi32, #tpu.memory_space<vmem>>, %arg9: memref<8x128xf32, #tpu.memory_space<vmem>>, %arg10: memref<8x16xf32, #tpu.memory_space<vmem>>, %arg11: memref<16x128xbf16, #tpu.memory_space<vmem>>, %arg12: memref<1x128xf32, #tpu.memory_space<vmem>>, %arg13: memref<128x128xbf16, #tpu.memory_space<vmem>>, %arg14: memref<1x128xf32, #tpu.memory_space<vmem>>, %arg15: memref<128x768xbf16, #tpu.memory_space<vmem>>, %arg16: memref<128x256xbf16, #tpu.memory_space<vmem>>, %arg17: memref<1x256xf32, #tpu.memory_space<vmem>>, %arg18: memref<256x256xbf16, #tpu.memory_space<vmem>>, %arg19: memref<1x256xf32, #tpu.memory_space<vmem>>, %arg20: memref<256x256xbf16, #tpu.memory_space<vmem>>, %arg21: memref<1x256xf32, #tpu.memory_space<vmem>>, %arg22: memref<1x256xf32, #tpu.memory_space<vmem>>, %arg23: memref<256x128xbf16, #tpu.memory_space<vmem>>, %arg24: memref<1x128xf32, #tpu.memory_space<vmem>>, %arg25: memref<128x128xbf16, #tpu.memory_space<vmem>>, %arg26: memref<1x128xf32, #tpu.memory_space<vmem>>, %arg27: memref<128x128xbf16, #tpu.memory_space<vmem>>, %arg28: memref<1x128xf32, #tpu.memory_space<vmem>>, %arg29: memref<128x768xbf16, #tpu.memory_space<vmem>>, %arg30: memref<128x256xbf16, #tpu.memory_space<vmem>>, %arg31: memref<1x256xf32, #tpu.memory_space<vmem>>, %arg32: memref<256x256xbf16, #tpu.memory_space<vmem>>, %arg33: memref<1x256xf32, #tpu.memory_space<vmem>>, %arg34: memref<256x256xbf16, #tpu.memory_space<vmem>>, %arg35: memref<1x256xf32, #tpu.memory_space<vmem>>, %arg36: memref<1x256xf32, #tpu.memory_space<vmem>>, %arg37: memref<256x128xbf16, #tpu.memory_space<vmem>>, %arg38: memref<1x128xf32, #tpu.memory_space<vmem>>, %arg39: memref<128x128xbf16, #tpu.memory_space<vmem>>, %arg40: memref<1x128xf32, #tpu.memory_space<vmem>>, %arg41: memref<128x128xbf16, #tpu.memory_space<vmem>>, %arg42: memref<1x128xf32, #tpu.memory_space<vmem>>, %arg43: memref<128x768xbf16, #tpu.memory_space<vmem>>, %arg44: memref<128x256xbf16, #tpu.memory_space<vmem>>, %arg45: memref<1x256xf32, #tpu.memory_space<vmem>>, %arg46: memref<256x256xbf16, #tpu.memory_space<vmem>>, %arg47: memref<1x256xf32, #tpu.memory_space<vmem>>, %arg48: memref<256x256xbf16, #tpu.memory_space<vmem>>, %arg49: memref<1x256xf32, #tpu.memory_space<vmem>>, %arg50: memref<1x256xf32, #tpu.memory_space<vmem>>, %arg51: memref<256x128xbf16, #tpu.memory_space<vmem>>, %arg52: memref<1x128xf32, #tpu.memory_space<vmem>>, %arg53: memref<128x128xbf16, #tpu.memory_space<vmem>>, %arg54: memref<1x128xf32, #tpu.memory_space<vmem>>, %arg55: memref<128x128xbf16, #tpu.memory_space<vmem>>, %arg56: memref<1x128xf32, #tpu.memory_space<vmem>>, %arg57: memref<128x768xbf16, #tpu.memory_space<vmem>>, %arg58: memref<128x256xbf16, #tpu.memory_space<vmem>>, %arg59: memref<1x256xf32, #tpu.memory_space<vmem>>, %arg60: memref<256x256xbf16, #tpu.memory_space<vmem>>, %arg61: memref<1x256xf32, #tpu.memory_space<vmem>>, %arg62: memref<256x256xbf16, #tpu.memory_space<vmem>>, %arg63: memref<1x256xf32, #tpu.memory_space<vmem>>, %arg64: memref<1x256xf32, #tpu.memory_space<vmem>>, %arg65: memref<256x128xbf16, #tpu.memory_space<vmem>>, %arg66: memref<1x128xf32, #tpu.memory_space<vmem>>, %arg67: memref<128x128xbf16, #tpu.memory_space<vmem>>, %arg68: memref<1x128xf32, #tpu.memory_space<vmem>>, %arg69: memref<128x128xbf16, #tpu.memory_space<vmem>>, %arg70: memref<1x128xf32, #tpu.memory_space<vmem>>, %arg71: memref<128x768xbf16, #tpu.memory_space<vmem>>, %arg72: memref<128x256xbf16, #tpu.memory_space<vmem>>, %arg73: memref<1x256xf32, #tpu.memory_space<vmem>>, %arg74: memref<256x256xbf16, #tpu.memory_space<vmem>>, %arg75: memref<1x256xf32, #tpu.memory_space<vmem>>, %arg76: memref<256x256xbf16, #tpu.memory_space<vmem>>, %arg77: memref<1x256xf32, #tpu.memory_space<vmem>>, %arg78: memref<1x256xf32, #tpu.memory_space<vmem>>, %arg79: memref<256x128xbf16, #tpu.memory_space<vmem>>, %arg80: memref<1x128xf32, #tpu.memory_space<vmem>>, %arg81: memref<128x128xbf16, #tpu.memory_space<vmem>>, %arg82: memref<1x128xf32, #tpu.memory_space<vmem>>, %arg83: memref<128x128xbf16, #tpu.memory_space<vmem>>, %arg84: memref<1x128xf32, #tpu.memory_space<vmem>>, %arg85: memref<128x128xbf16, #tpu.memory_space<vmem>>, %arg86: memref<128x128xbf16, #tpu.memory_space<vmem>>, %arg87: memref<128x128xbf16, #tpu.memory_space<vmem>>, %arg88: memref<1x128xf32, #tpu.memory_space<vmem>>, %arg89: memref<128x128xbf16, #tpu.memory_space<vmem>>, %arg90: memref<1x128xf32, #tpu.memory_space<vmem>>, %arg91: memref<128x1xbf16, #tpu.memory_space<vmem>>, %arg92: memref<1x1xf32, #tpu.memory_space<vmem>>, %arg93: memref<1x1x1xf32, #tpu.memory_space<vmem>>) attributes {dimension_semantics = [#tpu.dimension_semantics<parallel>], iteration_bounds = array<i64: 50>, scalar_prefetch = 0 : i64, scratch_operands = 0 : i64, tpu.core_type = #tpu.core_type<tc>, window_params = [{transform_indices = @transform_0, window_bounds = array<i64: 1, 200, 128>}, {transform_indices = @transform_1, window_bounds = array<i64: 1, 3200, 16>}, {transform_indices = @transform_2, window_bounds = array<i64: 1, 3200, 1>}, {transform_indices = @transform_3, window_bounds = array<i64: 1, 3200, 1>}, {transform_indices = @transform_4, window_bounds = array<i64: 1, 1, 3200>}, {transform_indices = @transform_5, window_bounds = array<i64: 1, 8, 1>}, {transform_indices = @transform_6, window_bounds = array<i64: 1, 8, 1>}, {transform_indices = @transform_7, window_bounds = array<i64: 1, 8, 1>}, {pipeline_mode = #tpu.pipeline_mode<synchronous>, transform_indices = @transform_8, window_bounds = array<i64: 8, 128>}, {pipeline_mode = #tpu.pipeline_mode<synchronous>, transform_indices = @transform_9, window_bounds = array<i64: 8, 16>}, {pipeline_mode = #tpu.pipeline_mode<synchronous>, transform_indices = @transform_10, window_bounds = array<i64: 16, 128>}, {pipeline_mode = #tpu.pipeline_mode<synchronous>, transform_indices = @transform_11, window_bounds = array<i64: 1, 128>}, {pipeline_mode = #tpu.pipeline_mode<synchronous>, transform_indices = @transform_12, window_bounds = array<i64: 128, 128>}, {pipeline_mode = #tpu.pipeline_mode<synchronous>, transform_indices = @transform_13, window_bounds = array<i64: 1, 128>}, {pipeline_mode = #tpu.pipeline_mode<synchronous>, transform_indices = @transform_14, window_bounds = array<i64: 128, 768>}, {pipeline_mode = #tpu.pipeline_mode<synchronous>, transform_indices = @transform_15, window_bounds = array<i64: 128, 256>}, {pipeline_mode = #tpu.pipeline_mode<synchronous>, transform_indices = @transform_16, window_bounds = array<i64: 1, 256>}, {pipeline_mode = #tpu.pipeline_mode<synchronous>, transform_indices = @transform_17, window_bounds = array<i64: 256, 256>}, {pipeline_mode = #tpu.pipeline_mode<synchronous>, transform_indices = @transform_18, window_bounds = array<i64: 1, 256>}, {pipeline_mode = #tpu.pipeline_mode<synchronous>, transform_indices = @transform_19, window_bounds = array<i64: 256, 256>}, {pipeline_mode = #tpu.pipeline_mode<synchronous>, transform_indices = @transform_20, window_bounds = array<i64: 1, 256>}, {pipeline_mode = #tpu.pipeline_mode<synchronous>, transform_indices = @transform_21, window_bounds = array<i64: 1, 256>}, {pipeline_mode = #tpu.pipeline_mode<synchronous>, transform_indices = @transform_22, window_bounds = array<i64: 256, 128>}, {pipeline_mode = #tpu.pipeline_mode<synchronous>, transform_indices = @transform_23, window_bounds = array<i64: 1, 128>}, {pipeline_mode = #tpu.pipeline_mode<synchronous>, transform_indices = @transform_24, window_bounds = array<i64: 128, 128>}, {pipeline_mode = #tpu.pipeline_mode<synchronous>, transform_indices = @transform_25, window_bounds = array<i64: 1, 128>}, {pipeline_mode = #tpu.pipeline_mode<synchronous>, transform_indices = @transform_26, window_bounds = array<i64: 128, 128>}, {pipeline_mode = #tpu.pipeline_mode<synchronous>, transform_indices = @transform_27, window_bounds = array<i64: 1, 128>}, {pipeline_mode = #tpu.pipeline_mode<synchronous>, transform_indices = @transform_28, window_bounds = array<i64: 128, 768>}, {pipeline_mode = #tpu.pipeline_mode<synchronous>, transform_indices = @transform_29, window_bounds = array<i64: 128, 256>}, {pipeline_mode = #tpu.pipeline_mode<synchronous>, transform_indices = @transform_30, window_bounds = array<i64: 1, 256>}, {pipeline_mode = #tpu.pipeline_mode<synchronous>, transform_indices = @transform_31, window_bounds = array<i64: 256, 256>}, {pipeline_mode = #tpu.pipeline_mode<synchronous>, transform_indices = @transform_32, window_bounds = array<i64: 1, 256>}, {pipeline_mode = #tpu.pipeline_mode<synchronous>, transform_indices = @transform_33, window_bounds = array<i64: 256, 256>}, {pipeline_mode = #tpu.pipeline_mode<synchronous>, transform_indices = @transform_34, window_bounds = array<i64: 1, 256>}, {pipeline_mode = #tpu.pipeline_mode<synchronous>, transform_indices = @transform_35, window_bounds = array<i64: 1, 256>}, {pipeline_mode = #tpu.pipeline_mode<synchronous>, transform_indices = @transform_36, window_bounds = array<i64: 256, 128>}, {pipeline_mode = #tpu.pipeline_mode<synchronous>, transform_indices = @transform_37, window_bounds = array<i64: 1, 128>}, {pipeline_mode = #tpu.pipeline_mode<synchronous>, transform_indices = @transform_38, window_bounds = array<i64: 128, 128>}, {pipeline_mode = #tpu.pipeline_mode<synchronous>, transform_indices = @transform_39, window_bounds = array<i64: 1, 128>}, {pipeline_mode = #tpu.pipeline_mode<synchronous>, transform_indices = @transform_40, window_bounds = array<i64: 128, 128>}, {pipeline_mode = #tpu.pipeline_mode<synchronous>, transform_indices = @transform_41, window_bounds = array<i64: 1, 128>}, {pipeline_mode = #tpu.pipeline_mode<synchronous>, transform_indices = @transform_42, window_bounds = array<i64: 128, 768>}, {pipeline_mode = #tpu.pipeline_mode<synchronous>, transform_indices = @transform_43, window_bounds = array<i64: 128, 256>}, {pipeline_mode = #tpu.pipeline_mode<synchronous>, transform_indices = @transform_44, window_bounds = array<i64: 1, 256>}, {pipeline_mode = #tpu.pipeline_mode<synchronous>, transform_indices = @transform_45, window_bounds = array<i64: 256, 256>}, {pipeline_mode = #tpu.pipeline_mode<synchronous>, transform_indices = @transform_46, window_bounds = array<i64: 1, 256>}, {pipeline_mode = #tpu.pipeline_mode<synchronous>, transform_indices = @transform_47, window_bounds = array<i64: 256, 256>}, {pipeline_mode = #tpu.pipeline_mode<synchronous>, transform_indices = @transform_48, window_bounds = array<i64: 1, 256>}, {pipeline_mode = #tpu.pipeline_mode<synchronous>, transform_indices = @transform_49, window_bounds = array<i64: 1, 256>}, {pipeline_mode = #tpu.pipeline_mode<synchronous>, transform_indices = @transform_50, window_bounds = array<i64: 256, 128>}, {pipeline_mode = #tpu.pipeline_mode<synchronous>, transform_indices = @transform_51, window_bounds = array<i64: 1, 128>}, {pipeline_mode = #tpu.pipeline_mode<synchronous>, transform_indices = @transform_52, window_bounds = array<i64: 128, 128>}, {pipeline_mode = #tpu.pipeline_mode<synchronous>, transform_indices = @transform_53, window_bounds = array<i64: 1, 128>}, {pipeline_mode = #tpu.pipeline_mode<synchronous>, transform_indices = @transform_54, window_bounds = array<i64: 128, 128>}, {pipeline_mode = #tpu.pipeline_mode<synchronous>, transform_indices = @transform_55, window_bounds = array<i64: 1, 128>}, {pipeline_mode = #tpu.pipeline_mode<synchronous>, transform_indices = @transform_56, window_bounds = array<i64: 128, 768>}, {pipeline_mode = #tpu.pipeline_mode<synchronous>, transform_indices = @transform_57, window_bounds = array<i64: 128, 256>}, {pipeline_mode = #tpu.pipeline_mode<synchronous>, transform_indices = @transform_58, window_bounds = array<i64: 1, 256>}, {pipeline_mode = #tpu.pipeline_mode<synchronous>, transform_indices = @transform_59, window_bounds = array<i64: 256, 256>}, {pipeline_mode = #tpu.pipeline_mode<synchronous>, transform_indices = @transform_60, window_bounds = array<i64: 1, 256>}, {pipeline_mode = #tpu.pipeline_mode<synchronous>, transform_indices = @transform_61, window_bounds = array<i64: 256, 256>}, {pipeline_mode = #tpu.pipeline_mode<synchronous>, transform_indices = @transform_62, window_bounds = array<i64: 1, 256>}, {pipeline_mode = #tpu.pipeline_mode<synchronous>, transform_indices = @transform_63, window_bounds = array<i64: 1, 256>}, {pipeline_mode = #tpu.pipeline_mode<synchronous>, transform_indices = @transform_64, window_bounds = array<i64: 256, 128>}, {pipeline_mode = #tpu.pipeline_mode<synchronous>, transform_indices = @transform_65, window_bounds = array<i64: 1, 128>}, {pipeline_mode = #tpu.pipeline_mode<synchronous>, transform_indices = @transform_66, window_bounds = array<i64: 128, 128>}, {pipeline_mode = #tpu.pipeline_mode<synchronous>, transform_indices = @transform_67, window_bounds = array<i64: 1, 128>}, {pipeline_mode = #tpu.pipeline_mode<synchronous>, transform_indices = @transform_68, window_bounds = array<i64: 128, 128>}, {pipeline_mode = #tpu.pipeline_mode<synchronous>, transform_indices = @transform_69, window_bounds = array<i64: 1, 128>}, {pipeline_mode = #tpu.pipeline_mode<synchronous>, transform_indices = @transform_70, window_bounds = array<i64: 128, 768>}, {pipeline_mode = #tpu.pipeline_mode<synchronous>, transform_indices = @transform_71, window_bounds = array<i64: 128, 256>}, {pipeline_mode = #tpu.pipeline_mode<synchronous>, transform_indices = @transform_72, window_bounds = array<i64: 1, 256>}, {pipeline_mode = #tpu.pipeline_mode<synchronous>, transform_indices = @transform_73, window_bounds = array<i64: 256, 256>}, {pipeline_mode = #tpu.pipeline_mode<synchronous>, transform_indices = @transform_74, window_bounds = array<i64: 1, 256>}, {pipeline_mode = #tpu.pipeline_mode<synchronous>, transform_indices = @transform_75, window_bounds = array<i64: 256, 256>}, {pipeline_mode = #tpu.pipeline_mode<synchronous>, transform_indices = @transform_76, window_bounds = array<i64: 1, 256>}, {pipeline_mode = #tpu.pipeline_mode<synchronous>, transform_indices = @transform_77, window_bounds = array<i64: 1, 256>}, {pipeline_mode = #tpu.pipeline_mode<synchronous>, transform_indices = @transform_78, window_bounds = array<i64: 256, 128>}, {pipeline_mode = #tpu.pipeline_mode<synchronous>, transform_indices = @transform_79, window_bounds = array<i64: 1, 128>}, {pipeline_mode = #tpu.pipeline_mode<synchronous>, transform_indices = @transform_80, window_bounds = array<i64: 128, 128>}, {pipeline_mode = #tpu.pipeline_mode<synchronous>, transform_indices = @transform_81, window_bounds = array<i64: 1, 128>}, {pipeline_mode = #tpu.pipeline_mode<synchronous>, transform_indices = @transform_82, window_bounds = array<i64: 128, 128>}, {pipeline_mode = #tpu.pipeline_mode<synchronous>, transform_indices = @transform_83, window_bounds = array<i64: 1, 128>}, {pipeline_mode = #tpu.pipeline_mode<synchronous>, transform_indices = @transform_84, window_bounds = array<i64: 128, 128>}, {pipeline_mode = #tpu.pipeline_mode<synchronous>, transform_indices = @transform_85, window_bounds = array<i64: 128, 128>}, {pipeline_mode = #tpu.pipeline_mode<synchronous>, transform_indices = @transform_86, window_bounds = array<i64: 128, 128>}, {pipeline_mode = #tpu.pipeline_mode<synchronous>, transform_indices = @transform_87, window_bounds = array<i64: 1, 128>}, {pipeline_mode = #tpu.pipeline_mode<synchronous>, transform_indices = @transform_88, window_bounds = array<i64: 128, 128>}, {pipeline_mode = #tpu.pipeline_mode<synchronous>, transform_indices = @transform_89, window_bounds = array<i64: 1, 128>}, {pipeline_mode = #tpu.pipeline_mode<synchronous>, transform_indices = @transform_90, window_bounds = array<i64: 128, 1>}, {pipeline_mode = #tpu.pipeline_mode<synchronous>, transform_indices = @transform_91, window_bounds = array<i64: 1, 1>}, {transform_indices = @transform_92, window_bounds = array<i64: 1, 1, 1>}]} {
    %get3A = arith.constant 0 : index
    %get3A_0 = arith.constant 0 : index
    %get3A_1 = arith.constant 0 : index
    %get3A_2 = vector.load %arg1[%get3A, %get3A_0, %get3A_1] : memref<1x200x128xf32, #tpu.memory_space<vmem>>, vector<1x200x128xf32>
    %get3A_3 = vector.shape_cast %get3A_2 : vector<1x200x128xf32> to vector<200x128xf32>
    %get3A_4 = arith.constant 0 : index
    %get3A_5 = arith.constant 0 : index
    %get3A_6 = vector.load %arg9[%get3A_4, %get3A_5] : memref<8x128xf32, #tpu.memory_space<vmem>>, vector<1x128xf32>
    %mul3A = vector.broadcast %get3A_6 : vector<1x128xf32> to vector<200x128xf32>
    %mul3A_7 = arith.mulf %get3A_3, %mul3A : vector<200x128xf32>
    %get3A_8 = arith.constant 1 : index
    %get3A_9 = arith.constant 0 : index
    %get3A_10 = vector.load %arg9[%get3A_8, %get3A_9] : memref<8x128xf32, #tpu.memory_space<vmem>>, vector<1x128xf32>
    %add3A = vector.broadcast %get3A_10 : vector<1x128xf32> to vector<200x128xf32>
    %add3A_11 = arith.addf %mul3A_7, %add3A : vector<200x128xf32>
    %get3A_12 = arith.constant 0 : index
    %get3A_13 = arith.constant 0 : index
    %get3A_14 = arith.constant 0 : index
    %get3A_15 = vector.load %arg2[%get3A_12, %get3A_13, %get3A_14] : memref<1x3200x16xf32, #tpu.memory_space<vmem>>, vector<1x3200x16xf32>
    %get3A_16 = vector.shape_cast %get3A_15 : vector<1x3200x16xf32> to vector<3200x16xf32>
    %get3A_17 = arith.constant 0 : index
    %get3A_18 = arith.constant 0 : index
    %get3A_19 = vector.load %arg10[%get3A_17, %get3A_18] : memref<8x16xf32, #tpu.memory_space<vmem>>, vector<1x16xf32>
    %mul3A_20 = vector.broadcast %get3A_19 : vector<1x16xf32> to vector<3200x16xf32>
    %mul3A_21 = arith.mulf %get3A_16, %mul3A_20 : vector<3200x16xf32>
    %get3A_22 = arith.constant 1 : index
    %get3A_23 = arith.constant 0 : index
    %get3A_24 = vector.load %arg10[%get3A_22, %get3A_23] : memref<8x16xf32, #tpu.memory_space<vmem>>, vector<1x16xf32>
    %add3A_25 = vector.broadcast %get3A_24 : vector<1x16xf32> to vector<3200x16xf32>
    %add3A_26 = arith.addf %mul3A_21, %add3A_25 : vector<3200x16xf32>
    %convert_element_type3A = arith.truncf %add3A_26 : vector<3200x16xf32> to vector<3200x16xbf16>
    %get3A_27 = arith.constant 0 : index
    %get3A_28 = arith.constant 0 : index
    %get3A_29 = arith.constant 0 : index
    %get3A_30 = vector.load %arg3[%get3A_27, %get3A_28, %get3A_29] : memref<1x3200x1xi32, #tpu.memory_space<vmem>>, vector<1x3200x1xi32>
    %get3A_31 = vector.shape_cast %get3A_30 : vector<1x3200x1xi32> to vector<3200x1xi32>
    %get3A_32 = arith.constant 0 : index
    %get3A_33 = arith.constant 0 : index
    %get3A_34 = arith.constant 0 : index
    %get3A_35 = vector.load %arg4[%get3A_32, %get3A_33, %get3A_34] : memref<1x3200x1xi32, #tpu.memory_space<vmem>>, vector<1x3200x1xi32>
    %get3A_36 = vector.shape_cast %get3A_35 : vector<1x3200x1xi32> to vector<3200x1xi32>
    %get3A_37 = arith.constant 0 : index
    %get3A_38 = arith.constant 0 : index
    %get3A_39 = arith.constant 0 : index
    %get3A_40 = vector.load %arg5[%get3A_37, %get3A_38, %get3A_39] : memref<1x1x3200xi32, #tpu.memory_space<vmem>>, vector<1x1x3200xi32>
    %get3A_41 = vector.shape_cast %get3A_40 : vector<1x1x3200xi32> to vector<1x3200xi32>
    %iota3A = tpu.iota {dimensions = array<i32: 1>} : vector<3200x200xi32>
    %eq3A = vector.broadcast %get3A_31 : vector<3200x1xi32> to vector<3200x200xi32>
    %eq3A_42 = arith.cmpi eq, %iota3A, %eq3A : vector<3200x200xi32>
    %convert_element_type3A_43 = arith.extui %eq3A_42 : vector<3200x200xi1> to vector<3200x200xi32>
    %convert_element_type3A_44 = arith.sitofp %convert_element_type3A_43 : vector<3200x200xi32> to vector<3200x200xf32>
    %convert_element_type3A_45 = arith.truncf %convert_element_type3A_44 : vector<3200x200xf32> to vector<3200x200xbf16>
    %eq3A_46 = vector.broadcast %get3A_36 : vector<3200x1xi32> to vector<3200x200xi32>
    %eq3A_47 = arith.cmpi eq, %iota3A, %eq3A_46 : vector<3200x200xi32>
    %convert_element_type3A_48 = arith.extui %eq3A_47 : vector<3200x200xi1> to vector<3200x200xi32>
    %convert_element_type3A_49 = arith.sitofp %convert_element_type3A_48 : vector<3200x200xi32> to vector<3200x200xf32>
    %convert_element_type3A_50 = arith.truncf %convert_element_type3A_49 : vector<3200x200xf32> to vector<3200x200xbf16>
    %iota3A_51 = tpu.iota {dimensions = array<i32: 0>} : vector<200x3200xi32>
    %eq3A_52 = vector.broadcast %get3A_41 : vector<1x3200xi32> to vector<200x3200xi32>
    %eq3A_53 = arith.cmpi eq, %iota3A_51, %eq3A_52 : vector<200x3200xi32>
    %convert_element_type3A_54 = arith.extui %eq3A_53 : vector<200x3200xi1> to vector<200x3200xi32>
    %convert_element_type3A_55 = arith.sitofp %convert_element_type3A_54 : vector<200x3200xi32> to vector<200x3200xf32>
    %convert_element_type3A_56 = arith.truncf %convert_element_type3A_55 : vector<200x3200xf32> to vector<200x3200xbf16>
    %convert_element_type3A_57 = arith.extui %eq3A_53 : vector<200x3200xi1> to vector<200x3200xi32>
    %convert_element_type3A_58 = arith.sitofp %convert_element_type3A_57 : vector<200x3200xi32> to vector<200x3200xf32>
    %reduce_sum3A = arith.constant dense<0.000000e+00> : vector<200xf32>
    %reduce_sum3A_59 = vector.multi_reduction <add>, %convert_element_type3A_58, %reduce_sum3A [1] : vector<200x3200xf32> to vector<200xf32>
    %broadcast_in_dim3A = vector.shape_cast %reduce_sum3A_59 : vector<200xf32> to vector<200x1xf32>
    %max3A = arith.constant 1.000000e+00 : f32
    %max3A_60 = vector.broadcast %max3A : f32 to vector<200x1xf32>
    %max3A_61 = arith.maximumf %broadcast_in_dim3A, %max3A_60 : vector<200x1xf32>
    %div3A = arith.constant 1.000000e+00 : f32
    %div3A_62 = vector.broadcast %div3A : f32 to vector<200x1xf32>
    %div3A_63 = arith.divf %div3A_62, %max3A_61 : vector<200x1xf32>
    %mul3A_64 = arith.mulf %broadcast_in_dim3A, %div3A_63 : vector<200x1xf32>
    %convert_element_type3A_65 = arith.truncf %add3A_11 : vector<200x128xf32> to vector<200x128xbf16>
    %get3A_66 = arith.constant 0 : index
    %get3A_67 = arith.constant 0 : index
    %get3A_68 = vector.load %arg15[%get3A_66, %get3A_67] : memref<128x768xbf16, #tpu.memory_space<vmem>>, vector<128x768xbf16>
    %dot_general3A = arith.constant dense<0.000000e+00> : vector<200x768xf32>
    %dot_general3A_69 = tpu.matmul %convert_element_type3A_65, %get3A_68, %dot_general3A {dimension_numbers = #tpu.dot_dimension_numbers<[1], [0], [0], [1], [0, 0, 1, 1], [], []>, transpose_lhs_hint = false} : vector<200x128xbf16>, vector<128x768xbf16>, vector<200x768xf32> -> vector<200x768xf32>
    %slice3A = vector.extract_strided_slice %dot_general3A_69 {offsets = [0, 0], sizes = [200, 128], strides = [1, 1]} : vector<200x768xf32> to vector<200x128xf32>
    %convert_element_type3A_70 = arith.truncf %slice3A : vector<200x128xf32> to vector<200x128xbf16>
    %slice3A_71 = vector.extract_strided_slice %dot_general3A_69 {offsets = [0, 128], sizes = [200, 128], strides = [1, 1]} : vector<200x768xf32> to vector<200x128xf32>
    %convert_element_type3A_72 = arith.truncf %slice3A_71 : vector<200x128xf32> to vector<200x128xbf16>
    %slice3A_73 = vector.extract_strided_slice %dot_general3A_69 {offsets = [0, 256], sizes = [200, 256], strides = [1, 1]} : vector<200x768xf32> to vector<200x256xf32>
    %convert_element_type3A_74 = arith.truncf %slice3A_73 : vector<200x256xf32> to vector<200x256xbf16>
    %get3A_75 = arith.constant 0 : index
    %get3A_76 = arith.constant 0 : index
    %get3A_77 = vector.load %arg11[%get3A_75, %get3A_76] : memref<16x128xbf16, #tpu.memory_space<vmem>>, vector<16x128xbf16>
    %dot_general3A_78 = arith.constant dense<0.000000e+00> : vector<3200x128xf32>
    %dot_general3A_79 = tpu.matmul %convert_element_type3A, %get3A_77, %dot_general3A_78 {dimension_numbers = #tpu.dot_dimension_numbers<[1], [0], [0], [1], [0, 0, 1, 1], [], []>, transpose_lhs_hint = false} : vector<3200x16xbf16>, vector<16x128xbf16>, vector<3200x128xf32> -> vector<3200x128xf32>
    %dot_general3A_80 = arith.constant dense<0.000000e+00> : vector<3200x128xf32>
    %dot_general3A_81 = tpu.matmul %convert_element_type3A_45, %convert_element_type3A_70, %dot_general3A_80 {dimension_numbers = #tpu.dot_dimension_numbers<[1], [0], [0], [1], [0, 0, 1, 1], [], []>, transpose_lhs_hint = false} : vector<3200x200xbf16>, vector<200x128xbf16>, vector<3200x128xf32> -> vector<3200x128xf32>
    %dot_general3A_82 = arith.constant dense<0.000000e+00> : vector<3200x128xf32>
    %dot_general3A_83 = tpu.matmul %convert_element_type3A_50, %convert_element_type3A_72, %dot_general3A_82 {dimension_numbers = #tpu.dot_dimension_numbers<[1], [0], [0], [1], [0, 0, 1, 1], [], []>, transpose_lhs_hint = false} : vector<3200x200xbf16>, vector<200x128xbf16>, vector<3200x128xf32> -> vector<3200x128xf32>
    %add3A_84 = arith.addf %dot_general3A_81, %dot_general3A_83 : vector<3200x128xf32>
    %add3A_85 = arith.addf %add3A_84, %dot_general3A_79 : vector<3200x128xf32>
    %get3A_86 = arith.constant 0 : index
    %get3A_87 = arith.constant 0 : index
    %get3A_88 = vector.load %arg12[%get3A_86, %get3A_87] : memref<1x128xf32, #tpu.memory_space<vmem>>, vector<1x128xf32>
    %add3A_89 = vector.broadcast %get3A_88 : vector<1x128xf32> to vector<3200x128xf32>
    %add3A_90 = arith.addf %add3A_85, %add3A_89 : vector<3200x128xf32>
    %max3A_91 = arith.constant 0.000000e+00 : f32
    %max3A_92 = vector.broadcast %max3A_91 : f32 to vector<3200x128xf32>
    %max3A_93 = arith.maximumf %add3A_90, %max3A_92 : vector<3200x128xf32>
    %get3A_94 = arith.constant 0 : index
    %get3A_95 = arith.constant 0 : index
    %get3A_96 = vector.load %arg13[%get3A_94, %get3A_95] : memref<128x128xbf16, #tpu.memory_space<vmem>>, vector<128x128xbf16>
    %convert_element_type3A_97 = arith.truncf %max3A_93 : vector<3200x128xf32> to vector<3200x128xbf16>
    %dot_general3A_98 = arith.constant dense<0.000000e+00> : vector<3200x128xf32>
    %dot_general3A_99 = tpu.matmul %convert_element_type3A_97, %get3A_96, %dot_general3A_98 {dimension_numbers = #tpu.dot_dimension_numbers<[1], [0], [0], [1], [0, 0, 1, 1], [], []>, transpose_lhs_hint = false} : vector<3200x128xbf16>, vector<128x128xbf16>, vector<3200x128xf32> -> vector<3200x128xf32>
    %get3A_100 = arith.constant 0 : index
    %get3A_101 = arith.constant 0 : index
    %get3A_102 = vector.load %arg14[%get3A_100, %get3A_101] : memref<1x128xf32, #tpu.memory_space<vmem>>, vector<1x128xf32>
    %add3A_103 = vector.broadcast %get3A_102 : vector<1x128xf32> to vector<3200x128xf32>
    %add3A_104 = arith.addf %dot_general3A_99, %add3A_103 : vector<3200x128xf32>
    %max3A_105 = arith.constant 0.000000e+00 : f32
    %max3A_106 = vector.broadcast %max3A_105 : f32 to vector<3200x128xf32>
    %max3A_107 = arith.maximumf %add3A_104, %max3A_106 : vector<3200x128xf32>
    %convert_element_type3A_108 = arith.truncf %max3A_107 : vector<3200x128xf32> to vector<3200x128xbf16>
    %dot_general3A_109 = arith.constant dense<0.000000e+00> : vector<3200x256xf32>
    %dot_general3A_110 = tpu.matmul %convert_element_type3A_45, %convert_element_type3A_74, %dot_general3A_109 {dimension_numbers = #tpu.dot_dimension_numbers<[1], [0], [0], [1], [0, 0, 1, 1], [], []>, transpose_lhs_hint = false} : vector<3200x200xbf16>, vector<200x256xbf16>, vector<3200x256xf32> -> vector<3200x256xf32>
    %get3A_111 = arith.constant 0 : index
    %get3A_112 = arith.constant 0 : index
    %get3A_113 = vector.load %arg16[%get3A_111, %get3A_112] : memref<128x256xbf16, #tpu.memory_space<vmem>>, vector<128x256xbf16>
    %dot_general3A_114 = arith.constant dense<0.000000e+00> : vector<3200x256xf32>
    %dot_general3A_115 = tpu.matmul %convert_element_type3A_108, %get3A_113, %dot_general3A_114 {dimension_numbers = #tpu.dot_dimension_numbers<[1], [0], [0], [1], [0, 0, 1, 1], [], []>, transpose_lhs_hint = false} : vector<3200x128xbf16>, vector<128x256xbf16>, vector<3200x256xf32> -> vector<3200x256xf32>
    %add3A_116 = arith.addf %dot_general3A_110, %dot_general3A_115 : vector<3200x256xf32>
    %get3A_117 = arith.constant 0 : index
    %get3A_118 = arith.constant 0 : index
    %get3A_119 = vector.load %arg17[%get3A_117, %get3A_118] : memref<1x256xf32, #tpu.memory_space<vmem>>, vector<1x256xf32>
    %add3A_120 = vector.broadcast %get3A_119 : vector<1x256xf32> to vector<3200x256xf32>
    %add3A_121 = arith.addf %add3A_116, %add3A_120 : vector<3200x256xf32>
    %max3A_122 = arith.constant 0.000000e+00 : f32
    %max3A_123 = vector.broadcast %max3A_122 : f32 to vector<3200x256xf32>
    %max3A_124 = arith.maximumf %add3A_121, %max3A_123 : vector<3200x256xf32>
    %get3A_125 = arith.constant 0 : index
    %get3A_126 = arith.constant 0 : index
    %get3A_127 = vector.load %arg18[%get3A_125, %get3A_126] : memref<256x256xbf16, #tpu.memory_space<vmem>>, vector<256x256xbf16>
    %convert_element_type3A_128 = arith.truncf %max3A_124 : vector<3200x256xf32> to vector<3200x256xbf16>
    %dot_general3A_129 = arith.constant dense<0.000000e+00> : vector<3200x256xf32>
    %dot_general3A_130 = tpu.matmul %convert_element_type3A_128, %get3A_127, %dot_general3A_129 {dimension_numbers = #tpu.dot_dimension_numbers<[1], [0], [0], [1], [0, 0, 1, 1], [], []>, transpose_lhs_hint = false} : vector<3200x256xbf16>, vector<256x256xbf16>, vector<3200x256xf32> -> vector<3200x256xf32>
    %get3A_131 = arith.constant 0 : index
    %get3A_132 = arith.constant 0 : index
    %get3A_133 = vector.load %arg19[%get3A_131, %get3A_132] : memref<1x256xf32, #tpu.memory_space<vmem>>, vector<1x256xf32>
    %add3A_134 = vector.broadcast %get3A_133 : vector<1x256xf32> to vector<3200x256xf32>
    %add3A_135 = arith.addf %dot_general3A_130, %add3A_134 : vector<3200x256xf32>
    %max3A_136 = arith.constant 0.000000e+00 : f32
    %max3A_137 = vector.broadcast %max3A_136 : f32 to vector<3200x256xf32>
    %max3A_138 = arith.maximumf %add3A_135, %max3A_137 : vector<3200x256xf32>
    %convert_element_type3A_139 = arith.truncf %max3A_138 : vector<3200x256xf32> to vector<3200x256xbf16>
    %dot_general3A_140 = arith.constant dense<0.000000e+00> : vector<200x256xf32>
    %dot_general3A_141 = tpu.matmul %convert_element_type3A_56, %convert_element_type3A_139, %dot_general3A_140 {dimension_numbers = #tpu.dot_dimension_numbers<[1], [0], [0], [1], [0, 0, 1, 1], [], []>, transpose_lhs_hint = false} : vector<200x3200xbf16>, vector<3200x256xbf16>, vector<200x256xf32> -> vector<200x256xf32>
    %mul3A_142 = vector.broadcast %div3A_63 : vector<200x1xf32> to vector<200x256xf32>
    %mul3A_143 = arith.mulf %dot_general3A_141, %mul3A_142 : vector<200x256xf32>
    %slice3A_144 = vector.extract_strided_slice %dot_general3A_69 {offsets = [0, 512], sizes = [200, 256], strides = [1, 1]} : vector<200x768xf32> to vector<200x256xf32>
    %get3A_145 = arith.constant 0 : index
    %get3A_146 = arith.constant 0 : index
    %get3A_147 = vector.load %arg20[%get3A_145, %get3A_146] : memref<256x256xbf16, #tpu.memory_space<vmem>>, vector<256x256xbf16>
    %convert_element_type3A_148 = arith.truncf %mul3A_143 : vector<200x256xf32> to vector<200x256xbf16>
    %dot_general3A_149 = arith.constant dense<0.000000e+00> : vector<200x256xf32>
    %dot_general3A_150 = tpu.matmul %convert_element_type3A_148, %get3A_147, %dot_general3A_149 {dimension_numbers = #tpu.dot_dimension_numbers<[1], [0], [0], [1], [0, 0, 1, 1], [], []>, transpose_lhs_hint = false} : vector<200x256xbf16>, vector<256x256xbf16>, vector<200x256xf32> -> vector<200x256xf32>
    %add3A_151 = arith.addf %slice3A_144, %dot_general3A_150 : vector<200x256xf32>
    %get3A_152 = arith.constant 0 : index
    %get3A_153 = arith.constant 0 : index
    %get3A_154 = vector.load %arg21[%get3A_152, %get3A_153] : memref<1x256xf32, #tpu.memory_space<vmem>>, vector<1x256xf32>
    %mul3A_155 = vector.broadcast %mul3A_64 : vector<200x1xf32> to vector<200x256xf32>
    %mul3A_156 = vector.broadcast %get3A_154 : vector<1x256xf32> to vector<200x256xf32>
    %mul3A_157 = arith.mulf %mul3A_155, %mul3A_156 : vector<200x256xf32>
    %add3A_158 = arith.addf %add3A_151, %mul3A_157 : vector<200x256xf32>
    %get3A_159 = arith.constant 0 : index
    %get3A_160 = arith.constant 0 : index
    %get3A_161 = vector.load %arg22[%get3A_159, %get3A_160] : memref<1x256xf32, #tpu.memory_space<vmem>>, vector<1x256xf32>
    %add3A_162 = vector.broadcast %get3A_161 : vector<1x256xf32> to vector<200x256xf32>
    %add3A_163 = arith.addf %add3A_158, %add3A_162 : vector<200x256xf32>
    %max3A_164 = arith.constant 0.000000e+00 : f32
    %max3A_165 = vector.broadcast %max3A_164 : f32 to vector<200x256xf32>
    %max3A_166 = arith.maximumf %add3A_163, %max3A_165 : vector<200x256xf32>
    %get3A_167 = arith.constant 0 : index
    %get3A_168 = arith.constant 0 : index
    %get3A_169 = vector.load %arg23[%get3A_167, %get3A_168] : memref<256x128xbf16, #tpu.memory_space<vmem>>, vector<256x128xbf16>
    %convert_element_type3A_170 = arith.truncf %max3A_166 : vector<200x256xf32> to vector<200x256xbf16>
    %dot_general3A_171 = arith.constant dense<0.000000e+00> : vector<200x128xf32>
    %dot_general3A_172 = tpu.matmul %convert_element_type3A_170, %get3A_169, %dot_general3A_171 {dimension_numbers = #tpu.dot_dimension_numbers<[1], [0], [0], [1], [0, 0, 1, 1], [], []>, transpose_lhs_hint = false} : vector<200x256xbf16>, vector<256x128xbf16>, vector<200x128xf32> -> vector<200x128xf32>
    %get3A_173 = arith.constant 0 : index
    %get3A_174 = arith.constant 0 : index
    %get3A_175 = vector.load %arg24[%get3A_173, %get3A_174] : memref<1x128xf32, #tpu.memory_space<vmem>>, vector<1x128xf32>
    %add3A_176 = vector.broadcast %get3A_175 : vector<1x128xf32> to vector<200x128xf32>
    %add3A_177 = arith.addf %dot_general3A_172, %add3A_176 : vector<200x128xf32>
    %convert_element_type3A_178 = arith.truncf %add3A_177 : vector<200x128xf32> to vector<200x128xbf16>
    %get3A_179 = arith.constant 0 : index
    %get3A_180 = arith.constant 0 : index
    %get3A_181 = vector.load %arg29[%get3A_179, %get3A_180] : memref<128x768xbf16, #tpu.memory_space<vmem>>, vector<128x768xbf16>
    %dot_general3A_182 = arith.constant dense<0.000000e+00> : vector<200x768xf32>
    %dot_general3A_183 = tpu.matmul %convert_element_type3A_178, %get3A_181, %dot_general3A_182 {dimension_numbers = #tpu.dot_dimension_numbers<[1], [0], [0], [1], [0, 0, 1, 1], [], []>, transpose_lhs_hint = false} : vector<200x128xbf16>, vector<128x768xbf16>, vector<200x768xf32> -> vector<200x768xf32>
    %slice3A_184 = vector.extract_strided_slice %dot_general3A_183 {offsets = [0, 0], sizes = [200, 128], strides = [1, 1]} : vector<200x768xf32> to vector<200x128xf32>
    %convert_element_type3A_185 = arith.truncf %slice3A_184 : vector<200x128xf32> to vector<200x128xbf16>
    %slice3A_186 = vector.extract_strided_slice %dot_general3A_183 {offsets = [0, 128], sizes = [200, 128], strides = [1, 1]} : vector<200x768xf32> to vector<200x128xf32>
    %convert_element_type3A_187 = arith.truncf %slice3A_186 : vector<200x128xf32> to vector<200x128xbf16>
    %slice3A_188 = vector.extract_strided_slice %dot_general3A_183 {offsets = [0, 256], sizes = [200, 256], strides = [1, 1]} : vector<200x768xf32> to vector<200x256xf32>
    %convert_element_type3A_189 = arith.truncf %slice3A_188 : vector<200x256xf32> to vector<200x256xbf16>
    %get3A_190 = arith.constant 0 : index
    %get3A_191 = arith.constant 0 : index
    %get3A_192 = vector.load %arg25[%get3A_190, %get3A_191] : memref<128x128xbf16, #tpu.memory_space<vmem>>, vector<128x128xbf16>
    %dot_general3A_193 = arith.constant dense<0.000000e+00> : vector<3200x128xf32>
    %dot_general3A_194 = tpu.matmul %convert_element_type3A_108, %get3A_192, %dot_general3A_193 {dimension_numbers = #tpu.dot_dimension_numbers<[1], [0], [0], [1], [0, 0, 1, 1], [], []>, transpose_lhs_hint = false} : vector<3200x128xbf16>, vector<128x128xbf16>, vector<3200x128xf32> -> vector<3200x128xf32>
    %dot_general3A_195 = arith.constant dense<0.000000e+00> : vector<3200x128xf32>
    %dot_general3A_196 = tpu.matmul %convert_element_type3A_45, %convert_element_type3A_185, %dot_general3A_195 {dimension_numbers = #tpu.dot_dimension_numbers<[1], [0], [0], [1], [0, 0, 1, 1], [], []>, transpose_lhs_hint = false} : vector<3200x200xbf16>, vector<200x128xbf16>, vector<3200x128xf32> -> vector<3200x128xf32>
    %dot_general3A_197 = arith.constant dense<0.000000e+00> : vector<3200x128xf32>
    %dot_general3A_198 = tpu.matmul %convert_element_type3A_50, %convert_element_type3A_187, %dot_general3A_197 {dimension_numbers = #tpu.dot_dimension_numbers<[1], [0], [0], [1], [0, 0, 1, 1], [], []>, transpose_lhs_hint = false} : vector<3200x200xbf16>, vector<200x128xbf16>, vector<3200x128xf32> -> vector<3200x128xf32>
    %add3A_199 = arith.addf %dot_general3A_196, %dot_general3A_198 : vector<3200x128xf32>
    %add3A_200 = arith.addf %add3A_199, %dot_general3A_194 : vector<3200x128xf32>
    %get3A_201 = arith.constant 0 : index
    %get3A_202 = arith.constant 0 : index
    %get3A_203 = vector.load %arg26[%get3A_201, %get3A_202] : memref<1x128xf32, #tpu.memory_space<vmem>>, vector<1x128xf32>
    %add3A_204 = vector.broadcast %get3A_203 : vector<1x128xf32> to vector<3200x128xf32>
    %add3A_205 = arith.addf %add3A_200, %add3A_204 : vector<3200x128xf32>
    %max3A_206 = arith.constant 0.000000e+00 : f32
    %max3A_207 = vector.broadcast %max3A_206 : f32 to vector<3200x128xf32>
    %max3A_208 = arith.maximumf %add3A_205, %max3A_207 : vector<3200x128xf32>
    %get3A_209 = arith.constant 0 : index
    %get3A_210 = arith.constant 0 : index
    %get3A_211 = vector.load %arg27[%get3A_209, %get3A_210] : memref<128x128xbf16, #tpu.memory_space<vmem>>, vector<128x128xbf16>
    %convert_element_type3A_212 = arith.truncf %max3A_208 : vector<3200x128xf32> to vector<3200x128xbf16>
    %dot_general3A_213 = arith.constant dense<0.000000e+00> : vector<3200x128xf32>
    %dot_general3A_214 = tpu.matmul %convert_element_type3A_212, %get3A_211, %dot_general3A_213 {dimension_numbers = #tpu.dot_dimension_numbers<[1], [0], [0], [1], [0, 0, 1, 1], [], []>, transpose_lhs_hint = false} : vector<3200x128xbf16>, vector<128x128xbf16>, vector<3200x128xf32> -> vector<3200x128xf32>
    %get3A_215 = arith.constant 0 : index
    %get3A_216 = arith.constant 0 : index
    %get3A_217 = vector.load %arg28[%get3A_215, %get3A_216] : memref<1x128xf32, #tpu.memory_space<vmem>>, vector<1x128xf32>
    %add3A_218 = vector.broadcast %get3A_217 : vector<1x128xf32> to vector<3200x128xf32>
    %add3A_219 = arith.addf %dot_general3A_214, %add3A_218 : vector<3200x128xf32>
    %max3A_220 = arith.constant 0.000000e+00 : f32
    %max3A_221 = vector.broadcast %max3A_220 : f32 to vector<3200x128xf32>
    %max3A_222 = arith.maximumf %add3A_219, %max3A_221 : vector<3200x128xf32>
    %convert_element_type3A_223 = arith.truncf %max3A_222 : vector<3200x128xf32> to vector<3200x128xbf16>
    %dot_general3A_224 = arith.constant dense<0.000000e+00> : vector<3200x256xf32>
    %dot_general3A_225 = tpu.matmul %convert_element_type3A_45, %convert_element_type3A_189, %dot_general3A_224 {dimension_numbers = #tpu.dot_dimension_numbers<[1], [0], [0], [1], [0, 0, 1, 1], [], []>, transpose_lhs_hint = false} : vector<3200x200xbf16>, vector<200x256xbf16>, vector<3200x256xf32> -> vector<3200x256xf32>
    %get3A_226 = arith.constant 0 : index
    %get3A_227 = arith.constant 0 : index
    %get3A_228 = vector.load %arg30[%get3A_226, %get3A_227] : memref<128x256xbf16, #tpu.memory_space<vmem>>, vector<128x256xbf16>
    %dot_general3A_229 = arith.constant dense<0.000000e+00> : vector<3200x256xf32>
    %dot_general3A_230 = tpu.matmul %convert_element_type3A_223, %get3A_228, %dot_general3A_229 {dimension_numbers = #tpu.dot_dimension_numbers<[1], [0], [0], [1], [0, 0, 1, 1], [], []>, transpose_lhs_hint = false} : vector<3200x128xbf16>, vector<128x256xbf16>, vector<3200x256xf32> -> vector<3200x256xf32>
    %add3A_231 = arith.addf %dot_general3A_225, %dot_general3A_230 : vector<3200x256xf32>
    %get3A_232 = arith.constant 0 : index
    %get3A_233 = arith.constant 0 : index
    %get3A_234 = vector.load %arg31[%get3A_232, %get3A_233] : memref<1x256xf32, #tpu.memory_space<vmem>>, vector<1x256xf32>
    %add3A_235 = vector.broadcast %get3A_234 : vector<1x256xf32> to vector<3200x256xf32>
    %add3A_236 = arith.addf %add3A_231, %add3A_235 : vector<3200x256xf32>
    %max3A_237 = arith.constant 0.000000e+00 : f32
    %max3A_238 = vector.broadcast %max3A_237 : f32 to vector<3200x256xf32>
    %max3A_239 = arith.maximumf %add3A_236, %max3A_238 : vector<3200x256xf32>
    %get3A_240 = arith.constant 0 : index
    %get3A_241 = arith.constant 0 : index
    %get3A_242 = vector.load %arg32[%get3A_240, %get3A_241] : memref<256x256xbf16, #tpu.memory_space<vmem>>, vector<256x256xbf16>
    %convert_element_type3A_243 = arith.truncf %max3A_239 : vector<3200x256xf32> to vector<3200x256xbf16>
    %dot_general3A_244 = arith.constant dense<0.000000e+00> : vector<3200x256xf32>
    %dot_general3A_245 = tpu.matmul %convert_element_type3A_243, %get3A_242, %dot_general3A_244 {dimension_numbers = #tpu.dot_dimension_numbers<[1], [0], [0], [1], [0, 0, 1, 1], [], []>, transpose_lhs_hint = false} : vector<3200x256xbf16>, vector<256x256xbf16>, vector<3200x256xf32> -> vector<3200x256xf32>
    %get3A_246 = arith.constant 0 : index
    %get3A_247 = arith.constant 0 : index
    %get3A_248 = vector.load %arg33[%get3A_246, %get3A_247] : memref<1x256xf32, #tpu.memory_space<vmem>>, vector<1x256xf32>
    %add3A_249 = vector.broadcast %get3A_248 : vector<1x256xf32> to vector<3200x256xf32>
    %add3A_250 = arith.addf %dot_general3A_245, %add3A_249 : vector<3200x256xf32>
    %max3A_251 = arith.constant 0.000000e+00 : f32
    %max3A_252 = vector.broadcast %max3A_251 : f32 to vector<3200x256xf32>
    %max3A_253 = arith.maximumf %add3A_250, %max3A_252 : vector<3200x256xf32>
    %convert_element_type3A_254 = arith.truncf %max3A_253 : vector<3200x256xf32> to vector<3200x256xbf16>
    %dot_general3A_255 = arith.constant dense<0.000000e+00> : vector<200x256xf32>
    %dot_general3A_256 = tpu.matmul %convert_element_type3A_56, %convert_element_type3A_254, %dot_general3A_255 {dimension_numbers = #tpu.dot_dimension_numbers<[1], [0], [0], [1], [0, 0, 1, 1], [], []>, transpose_lhs_hint = false} : vector<200x3200xbf16>, vector<3200x256xbf16>, vector<200x256xf32> -> vector<200x256xf32>
    %mul3A_257 = vector.broadcast %div3A_63 : vector<200x1xf32> to vector<200x256xf32>
    %mul3A_258 = arith.mulf %dot_general3A_256, %mul3A_257 : vector<200x256xf32>
    %slice3A_259 = vector.extract_strided_slice %dot_general3A_183 {offsets = [0, 512], sizes = [200, 256], strides = [1, 1]} : vector<200x768xf32> to vector<200x256xf32>
    %get3A_260 = arith.constant 0 : index
    %get3A_261 = arith.constant 0 : index
    %get3A_262 = vector.load %arg34[%get3A_260, %get3A_261] : memref<256x256xbf16, #tpu.memory_space<vmem>>, vector<256x256xbf16>
    %convert_element_type3A_263 = arith.truncf %mul3A_258 : vector<200x256xf32> to vector<200x256xbf16>
    %dot_general3A_264 = arith.constant dense<0.000000e+00> : vector<200x256xf32>
    %dot_general3A_265 = tpu.matmul %convert_element_type3A_263, %get3A_262, %dot_general3A_264 {dimension_numbers = #tpu.dot_dimension_numbers<[1], [0], [0], [1], [0, 0, 1, 1], [], []>, transpose_lhs_hint = false} : vector<200x256xbf16>, vector<256x256xbf16>, vector<200x256xf32> -> vector<200x256xf32>
    %add3A_266 = arith.addf %slice3A_259, %dot_general3A_265 : vector<200x256xf32>
    %get3A_267 = arith.constant 0 : index
    %get3A_268 = arith.constant 0 : index
    %get3A_269 = vector.load %arg35[%get3A_267, %get3A_268] : memref<1x256xf32, #tpu.memory_space<vmem>>, vector<1x256xf32>
    %mul3A_270 = vector.broadcast %mul3A_64 : vector<200x1xf32> to vector<200x256xf32>
    %mul3A_271 = vector.broadcast %get3A_269 : vector<1x256xf32> to vector<200x256xf32>
    %mul3A_272 = arith.mulf %mul3A_270, %mul3A_271 : vector<200x256xf32>
    %add3A_273 = arith.addf %add3A_266, %mul3A_272 : vector<200x256xf32>
    %get3A_274 = arith.constant 0 : index
    %get3A_275 = arith.constant 0 : index
    %get3A_276 = vector.load %arg36[%get3A_274, %get3A_275] : memref<1x256xf32, #tpu.memory_space<vmem>>, vector<1x256xf32>
    %add3A_277 = vector.broadcast %get3A_276 : vector<1x256xf32> to vector<200x256xf32>
    %add3A_278 = arith.addf %add3A_273, %add3A_277 : vector<200x256xf32>
    %max3A_279 = arith.constant 0.000000e+00 : f32
    %max3A_280 = vector.broadcast %max3A_279 : f32 to vector<200x256xf32>
    %max3A_281 = arith.maximumf %add3A_278, %max3A_280 : vector<200x256xf32>
    %get3A_282 = arith.constant 0 : index
    %get3A_283 = arith.constant 0 : index
    %get3A_284 = vector.load %arg37[%get3A_282, %get3A_283] : memref<256x128xbf16, #tpu.memory_space<vmem>>, vector<256x128xbf16>
    %convert_element_type3A_285 = arith.truncf %max3A_281 : vector<200x256xf32> to vector<200x256xbf16>
    %dot_general3A_286 = arith.constant dense<0.000000e+00> : vector<200x128xf32>
    %dot_general3A_287 = tpu.matmul %convert_element_type3A_285, %get3A_284, %dot_general3A_286 {dimension_numbers = #tpu.dot_dimension_numbers<[1], [0], [0], [1], [0, 0, 1, 1], [], []>, transpose_lhs_hint = false} : vector<200x256xbf16>, vector<256x128xbf16>, vector<200x128xf32> -> vector<200x128xf32>
    %get3A_288 = arith.constant 0 : index
    %get3A_289 = arith.constant 0 : index
    %get3A_290 = vector.load %arg38[%get3A_288, %get3A_289] : memref<1x128xf32, #tpu.memory_space<vmem>>, vector<1x128xf32>
    %add3A_291 = vector.broadcast %get3A_290 : vector<1x128xf32> to vector<200x128xf32>
    %add3A_292 = arith.addf %dot_general3A_287, %add3A_291 : vector<200x128xf32>
    %convert_element_type3A_293 = arith.truncf %add3A_292 : vector<200x128xf32> to vector<200x128xbf16>
    %get3A_294 = arith.constant 0 : index
    %get3A_295 = arith.constant 0 : index
    %get3A_296 = vector.load %arg43[%get3A_294, %get3A_295] : memref<128x768xbf16, #tpu.memory_space<vmem>>, vector<128x768xbf16>
    %dot_general3A_297 = arith.constant dense<0.000000e+00> : vector<200x768xf32>
    %dot_general3A_298 = tpu.matmul %convert_element_type3A_293, %get3A_296, %dot_general3A_297 {dimension_numbers = #tpu.dot_dimension_numbers<[1], [0], [0], [1], [0, 0, 1, 1], [], []>, transpose_lhs_hint = false} : vector<200x128xbf16>, vector<128x768xbf16>, vector<200x768xf32> -> vector<200x768xf32>
    %slice3A_299 = vector.extract_strided_slice %dot_general3A_298 {offsets = [0, 0], sizes = [200, 128], strides = [1, 1]} : vector<200x768xf32> to vector<200x128xf32>
    %convert_element_type3A_300 = arith.truncf %slice3A_299 : vector<200x128xf32> to vector<200x128xbf16>
    %slice3A_301 = vector.extract_strided_slice %dot_general3A_298 {offsets = [0, 128], sizes = [200, 128], strides = [1, 1]} : vector<200x768xf32> to vector<200x128xf32>
    %convert_element_type3A_302 = arith.truncf %slice3A_301 : vector<200x128xf32> to vector<200x128xbf16>
    %slice3A_303 = vector.extract_strided_slice %dot_general3A_298 {offsets = [0, 256], sizes = [200, 256], strides = [1, 1]} : vector<200x768xf32> to vector<200x256xf32>
    %convert_element_type3A_304 = arith.truncf %slice3A_303 : vector<200x256xf32> to vector<200x256xbf16>
    %get3A_305 = arith.constant 0 : index
    %get3A_306 = arith.constant 0 : index
    %get3A_307 = vector.load %arg39[%get3A_305, %get3A_306] : memref<128x128xbf16, #tpu.memory_space<vmem>>, vector<128x128xbf16>
    %dot_general3A_308 = arith.constant dense<0.000000e+00> : vector<3200x128xf32>
    %dot_general3A_309 = tpu.matmul %convert_element_type3A_223, %get3A_307, %dot_general3A_308 {dimension_numbers = #tpu.dot_dimension_numbers<[1], [0], [0], [1], [0, 0, 1, 1], [], []>, transpose_lhs_hint = false} : vector<3200x128xbf16>, vector<128x128xbf16>, vector<3200x128xf32> -> vector<3200x128xf32>
    %dot_general3A_310 = arith.constant dense<0.000000e+00> : vector<3200x128xf32>
    %dot_general3A_311 = tpu.matmul %convert_element_type3A_45, %convert_element_type3A_300, %dot_general3A_310 {dimension_numbers = #tpu.dot_dimension_numbers<[1], [0], [0], [1], [0, 0, 1, 1], [], []>, transpose_lhs_hint = false} : vector<3200x200xbf16>, vector<200x128xbf16>, vector<3200x128xf32> -> vector<3200x128xf32>
    %dot_general3A_312 = arith.constant dense<0.000000e+00> : vector<3200x128xf32>
    %dot_general3A_313 = tpu.matmul %convert_element_type3A_50, %convert_element_type3A_302, %dot_general3A_312 {dimension_numbers = #tpu.dot_dimension_numbers<[1], [0], [0], [1], [0, 0, 1, 1], [], []>, transpose_lhs_hint = false} : vector<3200x200xbf16>, vector<200x128xbf16>, vector<3200x128xf32> -> vector<3200x128xf32>
    %add3A_314 = arith.addf %dot_general3A_311, %dot_general3A_313 : vector<3200x128xf32>
    %add3A_315 = arith.addf %add3A_314, %dot_general3A_309 : vector<3200x128xf32>
    %get3A_316 = arith.constant 0 : index
    %get3A_317 = arith.constant 0 : index
    %get3A_318 = vector.load %arg40[%get3A_316, %get3A_317] : memref<1x128xf32, #tpu.memory_space<vmem>>, vector<1x128xf32>
    %add3A_319 = vector.broadcast %get3A_318 : vector<1x128xf32> to vector<3200x128xf32>
    %add3A_320 = arith.addf %add3A_315, %add3A_319 : vector<3200x128xf32>
    %max3A_321 = arith.constant 0.000000e+00 : f32
    %max3A_322 = vector.broadcast %max3A_321 : f32 to vector<3200x128xf32>
    %max3A_323 = arith.maximumf %add3A_320, %max3A_322 : vector<3200x128xf32>
    %get3A_324 = arith.constant 0 : index
    %get3A_325 = arith.constant 0 : index
    %get3A_326 = vector.load %arg41[%get3A_324, %get3A_325] : memref<128x128xbf16, #tpu.memory_space<vmem>>, vector<128x128xbf16>
    %convert_element_type3A_327 = arith.truncf %max3A_323 : vector<3200x128xf32> to vector<3200x128xbf16>
    %dot_general3A_328 = arith.constant dense<0.000000e+00> : vector<3200x128xf32>
    %dot_general3A_329 = tpu.matmul %convert_element_type3A_327, %get3A_326, %dot_general3A_328 {dimension_numbers = #tpu.dot_dimension_numbers<[1], [0], [0], [1], [0, 0, 1, 1], [], []>, transpose_lhs_hint = false} : vector<3200x128xbf16>, vector<128x128xbf16>, vector<3200x128xf32> -> vector<3200x128xf32>
    %get3A_330 = arith.constant 0 : index
    %get3A_331 = arith.constant 0 : index
    %get3A_332 = vector.load %arg42[%get3A_330, %get3A_331] : memref<1x128xf32, #tpu.memory_space<vmem>>, vector<1x128xf32>
    %add3A_333 = vector.broadcast %get3A_332 : vector<1x128xf32> to vector<3200x128xf32>
    %add3A_334 = arith.addf %dot_general3A_329, %add3A_333 : vector<3200x128xf32>
    %max3A_335 = arith.constant 0.000000e+00 : f32
    %max3A_336 = vector.broadcast %max3A_335 : f32 to vector<3200x128xf32>
    %max3A_337 = arith.maximumf %add3A_334, %max3A_336 : vector<3200x128xf32>
    %convert_element_type3A_338 = arith.truncf %max3A_337 : vector<3200x128xf32> to vector<3200x128xbf16>
    %dot_general3A_339 = arith.constant dense<0.000000e+00> : vector<3200x256xf32>
    %dot_general3A_340 = tpu.matmul %convert_element_type3A_45, %convert_element_type3A_304, %dot_general3A_339 {dimension_numbers = #tpu.dot_dimension_numbers<[1], [0], [0], [1], [0, 0, 1, 1], [], []>, transpose_lhs_hint = false} : vector<3200x200xbf16>, vector<200x256xbf16>, vector<3200x256xf32> -> vector<3200x256xf32>
    %get3A_341 = arith.constant 0 : index
    %get3A_342 = arith.constant 0 : index
    %get3A_343 = vector.load %arg44[%get3A_341, %get3A_342] : memref<128x256xbf16, #tpu.memory_space<vmem>>, vector<128x256xbf16>
    %dot_general3A_344 = arith.constant dense<0.000000e+00> : vector<3200x256xf32>
    %dot_general3A_345 = tpu.matmul %convert_element_type3A_338, %get3A_343, %dot_general3A_344 {dimension_numbers = #tpu.dot_dimension_numbers<[1], [0], [0], [1], [0, 0, 1, 1], [], []>, transpose_lhs_hint = false} : vector<3200x128xbf16>, vector<128x256xbf16>, vector<3200x256xf32> -> vector<3200x256xf32>
    %add3A_346 = arith.addf %dot_general3A_340, %dot_general3A_345 : vector<3200x256xf32>
    %get3A_347 = arith.constant 0 : index
    %get3A_348 = arith.constant 0 : index
    %get3A_349 = vector.load %arg45[%get3A_347, %get3A_348] : memref<1x256xf32, #tpu.memory_space<vmem>>, vector<1x256xf32>
    %add3A_350 = vector.broadcast %get3A_349 : vector<1x256xf32> to vector<3200x256xf32>
    %add3A_351 = arith.addf %add3A_346, %add3A_350 : vector<3200x256xf32>
    %max3A_352 = arith.constant 0.000000e+00 : f32
    %max3A_353 = vector.broadcast %max3A_352 : f32 to vector<3200x256xf32>
    %max3A_354 = arith.maximumf %add3A_351, %max3A_353 : vector<3200x256xf32>
    %get3A_355 = arith.constant 0 : index
    %get3A_356 = arith.constant 0 : index
    %get3A_357 = vector.load %arg46[%get3A_355, %get3A_356] : memref<256x256xbf16, #tpu.memory_space<vmem>>, vector<256x256xbf16>
    %convert_element_type3A_358 = arith.truncf %max3A_354 : vector<3200x256xf32> to vector<3200x256xbf16>
    %dot_general3A_359 = arith.constant dense<0.000000e+00> : vector<3200x256xf32>
    %dot_general3A_360 = tpu.matmul %convert_element_type3A_358, %get3A_357, %dot_general3A_359 {dimension_numbers = #tpu.dot_dimension_numbers<[1], [0], [0], [1], [0, 0, 1, 1], [], []>, transpose_lhs_hint = false} : vector<3200x256xbf16>, vector<256x256xbf16>, vector<3200x256xf32> -> vector<3200x256xf32>
    %get3A_361 = arith.constant 0 : index
    %get3A_362 = arith.constant 0 : index
    %get3A_363 = vector.load %arg47[%get3A_361, %get3A_362] : memref<1x256xf32, #tpu.memory_space<vmem>>, vector<1x256xf32>
    %add3A_364 = vector.broadcast %get3A_363 : vector<1x256xf32> to vector<3200x256xf32>
    %add3A_365 = arith.addf %dot_general3A_360, %add3A_364 : vector<3200x256xf32>
    %max3A_366 = arith.constant 0.000000e+00 : f32
    %max3A_367 = vector.broadcast %max3A_366 : f32 to vector<3200x256xf32>
    %max3A_368 = arith.maximumf %add3A_365, %max3A_367 : vector<3200x256xf32>
    %convert_element_type3A_369 = arith.truncf %max3A_368 : vector<3200x256xf32> to vector<3200x256xbf16>
    %dot_general3A_370 = arith.constant dense<0.000000e+00> : vector<200x256xf32>
    %dot_general3A_371 = tpu.matmul %convert_element_type3A_56, %convert_element_type3A_369, %dot_general3A_370 {dimension_numbers = #tpu.dot_dimension_numbers<[1], [0], [0], [1], [0, 0, 1, 1], [], []>, transpose_lhs_hint = false} : vector<200x3200xbf16>, vector<3200x256xbf16>, vector<200x256xf32> -> vector<200x256xf32>
    %mul3A_372 = vector.broadcast %div3A_63 : vector<200x1xf32> to vector<200x256xf32>
    %mul3A_373 = arith.mulf %dot_general3A_371, %mul3A_372 : vector<200x256xf32>
    %slice3A_374 = vector.extract_strided_slice %dot_general3A_298 {offsets = [0, 512], sizes = [200, 256], strides = [1, 1]} : vector<200x768xf32> to vector<200x256xf32>
    %get3A_375 = arith.constant 0 : index
    %get3A_376 = arith.constant 0 : index
    %get3A_377 = vector.load %arg48[%get3A_375, %get3A_376] : memref<256x256xbf16, #tpu.memory_space<vmem>>, vector<256x256xbf16>
    %convert_element_type3A_378 = arith.truncf %mul3A_373 : vector<200x256xf32> to vector<200x256xbf16>
    %dot_general3A_379 = arith.constant dense<0.000000e+00> : vector<200x256xf32>
    %dot_general3A_380 = tpu.matmul %convert_element_type3A_378, %get3A_377, %dot_general3A_379 {dimension_numbers = #tpu.dot_dimension_numbers<[1], [0], [0], [1], [0, 0, 1, 1], [], []>, transpose_lhs_hint = false} : vector<200x256xbf16>, vector<256x256xbf16>, vector<200x256xf32> -> vector<200x256xf32>
    %add3A_381 = arith.addf %slice3A_374, %dot_general3A_380 : vector<200x256xf32>
    %get3A_382 = arith.constant 0 : index
    %get3A_383 = arith.constant 0 : index
    %get3A_384 = vector.load %arg49[%get3A_382, %get3A_383] : memref<1x256xf32, #tpu.memory_space<vmem>>, vector<1x256xf32>
    %mul3A_385 = vector.broadcast %mul3A_64 : vector<200x1xf32> to vector<200x256xf32>
    %mul3A_386 = vector.broadcast %get3A_384 : vector<1x256xf32> to vector<200x256xf32>
    %mul3A_387 = arith.mulf %mul3A_385, %mul3A_386 : vector<200x256xf32>
    %add3A_388 = arith.addf %add3A_381, %mul3A_387 : vector<200x256xf32>
    %get3A_389 = arith.constant 0 : index
    %get3A_390 = arith.constant 0 : index
    %get3A_391 = vector.load %arg50[%get3A_389, %get3A_390] : memref<1x256xf32, #tpu.memory_space<vmem>>, vector<1x256xf32>
    %add3A_392 = vector.broadcast %get3A_391 : vector<1x256xf32> to vector<200x256xf32>
    %add3A_393 = arith.addf %add3A_388, %add3A_392 : vector<200x256xf32>
    %max3A_394 = arith.constant 0.000000e+00 : f32
    %max3A_395 = vector.broadcast %max3A_394 : f32 to vector<200x256xf32>
    %max3A_396 = arith.maximumf %add3A_393, %max3A_395 : vector<200x256xf32>
    %get3A_397 = arith.constant 0 : index
    %get3A_398 = arith.constant 0 : index
    %get3A_399 = vector.load %arg51[%get3A_397, %get3A_398] : memref<256x128xbf16, #tpu.memory_space<vmem>>, vector<256x128xbf16>
    %convert_element_type3A_400 = arith.truncf %max3A_396 : vector<200x256xf32> to vector<200x256xbf16>
    %dot_general3A_401 = arith.constant dense<0.000000e+00> : vector<200x128xf32>
    %dot_general3A_402 = tpu.matmul %convert_element_type3A_400, %get3A_399, %dot_general3A_401 {dimension_numbers = #tpu.dot_dimension_numbers<[1], [0], [0], [1], [0, 0, 1, 1], [], []>, transpose_lhs_hint = false} : vector<200x256xbf16>, vector<256x128xbf16>, vector<200x128xf32> -> vector<200x128xf32>
    %get3A_403 = arith.constant 0 : index
    %get3A_404 = arith.constant 0 : index
    %get3A_405 = vector.load %arg52[%get3A_403, %get3A_404] : memref<1x128xf32, #tpu.memory_space<vmem>>, vector<1x128xf32>
    %add3A_406 = vector.broadcast %get3A_405 : vector<1x128xf32> to vector<200x128xf32>
    %add3A_407 = arith.addf %dot_general3A_402, %add3A_406 : vector<200x128xf32>
    %convert_element_type3A_408 = arith.truncf %add3A_407 : vector<200x128xf32> to vector<200x128xbf16>
    %get3A_409 = arith.constant 0 : index
    %get3A_410 = arith.constant 0 : index
    %get3A_411 = vector.load %arg57[%get3A_409, %get3A_410] : memref<128x768xbf16, #tpu.memory_space<vmem>>, vector<128x768xbf16>
    %dot_general3A_412 = arith.constant dense<0.000000e+00> : vector<200x768xf32>
    %dot_general3A_413 = tpu.matmul %convert_element_type3A_408, %get3A_411, %dot_general3A_412 {dimension_numbers = #tpu.dot_dimension_numbers<[1], [0], [0], [1], [0, 0, 1, 1], [], []>, transpose_lhs_hint = false} : vector<200x128xbf16>, vector<128x768xbf16>, vector<200x768xf32> -> vector<200x768xf32>
    %slice3A_414 = vector.extract_strided_slice %dot_general3A_413 {offsets = [0, 0], sizes = [200, 128], strides = [1, 1]} : vector<200x768xf32> to vector<200x128xf32>
    %convert_element_type3A_415 = arith.truncf %slice3A_414 : vector<200x128xf32> to vector<200x128xbf16>
    %slice3A_416 = vector.extract_strided_slice %dot_general3A_413 {offsets = [0, 128], sizes = [200, 128], strides = [1, 1]} : vector<200x768xf32> to vector<200x128xf32>
    %convert_element_type3A_417 = arith.truncf %slice3A_416 : vector<200x128xf32> to vector<200x128xbf16>
    %slice3A_418 = vector.extract_strided_slice %dot_general3A_413 {offsets = [0, 256], sizes = [200, 256], strides = [1, 1]} : vector<200x768xf32> to vector<200x256xf32>
    %convert_element_type3A_419 = arith.truncf %slice3A_418 : vector<200x256xf32> to vector<200x256xbf16>
    %get3A_420 = arith.constant 0 : index
    %get3A_421 = arith.constant 0 : index
    %get3A_422 = vector.load %arg53[%get3A_420, %get3A_421] : memref<128x128xbf16, #tpu.memory_space<vmem>>, vector<128x128xbf16>
    %dot_general3A_423 = arith.constant dense<0.000000e+00> : vector<3200x128xf32>
    %dot_general3A_424 = tpu.matmul %convert_element_type3A_338, %get3A_422, %dot_general3A_423 {dimension_numbers = #tpu.dot_dimension_numbers<[1], [0], [0], [1], [0, 0, 1, 1], [], []>, transpose_lhs_hint = false} : vector<3200x128xbf16>, vector<128x128xbf16>, vector<3200x128xf32> -> vector<3200x128xf32>
    %dot_general3A_425 = arith.constant dense<0.000000e+00> : vector<3200x128xf32>
    %dot_general3A_426 = tpu.matmul %convert_element_type3A_45, %convert_element_type3A_415, %dot_general3A_425 {dimension_numbers = #tpu.dot_dimension_numbers<[1], [0], [0], [1], [0, 0, 1, 1], [], []>, transpose_lhs_hint = false} : vector<3200x200xbf16>, vector<200x128xbf16>, vector<3200x128xf32> -> vector<3200x128xf32>
    %dot_general3A_427 = arith.constant dense<0.000000e+00> : vector<3200x128xf32>
    %dot_general3A_428 = tpu.matmul %convert_element_type3A_50, %convert_element_type3A_417, %dot_general3A_427 {dimension_numbers = #tpu.dot_dimension_numbers<[1], [0], [0], [1], [0, 0, 1, 1], [], []>, transpose_lhs_hint = false} : vector<3200x200xbf16>, vector<200x128xbf16>, vector<3200x128xf32> -> vector<3200x128xf32>
    %add3A_429 = arith.addf %dot_general3A_426, %dot_general3A_428 : vector<3200x128xf32>
    %add3A_430 = arith.addf %add3A_429, %dot_general3A_424 : vector<3200x128xf32>
    %get3A_431 = arith.constant 0 : index
    %get3A_432 = arith.constant 0 : index
    %get3A_433 = vector.load %arg54[%get3A_431, %get3A_432] : memref<1x128xf32, #tpu.memory_space<vmem>>, vector<1x128xf32>
    %add3A_434 = vector.broadcast %get3A_433 : vector<1x128xf32> to vector<3200x128xf32>
    %add3A_435 = arith.addf %add3A_430, %add3A_434 : vector<3200x128xf32>
    %max3A_436 = arith.constant 0.000000e+00 : f32
    %max3A_437 = vector.broadcast %max3A_436 : f32 to vector<3200x128xf32>
    %max3A_438 = arith.maximumf %add3A_435, %max3A_437 : vector<3200x128xf32>
    %get3A_439 = arith.constant 0 : index
    %get3A_440 = arith.constant 0 : index
    %get3A_441 = vector.load %arg55[%get3A_439, %get3A_440] : memref<128x128xbf16, #tpu.memory_space<vmem>>, vector<128x128xbf16>
    %convert_element_type3A_442 = arith.truncf %max3A_438 : vector<3200x128xf32> to vector<3200x128xbf16>
    %dot_general3A_443 = arith.constant dense<0.000000e+00> : vector<3200x128xf32>
    %dot_general3A_444 = tpu.matmul %convert_element_type3A_442, %get3A_441, %dot_general3A_443 {dimension_numbers = #tpu.dot_dimension_numbers<[1], [0], [0], [1], [0, 0, 1, 1], [], []>, transpose_lhs_hint = false} : vector<3200x128xbf16>, vector<128x128xbf16>, vector<3200x128xf32> -> vector<3200x128xf32>
    %get3A_445 = arith.constant 0 : index
    %get3A_446 = arith.constant 0 : index
    %get3A_447 = vector.load %arg56[%get3A_445, %get3A_446] : memref<1x128xf32, #tpu.memory_space<vmem>>, vector<1x128xf32>
    %add3A_448 = vector.broadcast %get3A_447 : vector<1x128xf32> to vector<3200x128xf32>
    %add3A_449 = arith.addf %dot_general3A_444, %add3A_448 : vector<3200x128xf32>
    %max3A_450 = arith.constant 0.000000e+00 : f32
    %max3A_451 = vector.broadcast %max3A_450 : f32 to vector<3200x128xf32>
    %max3A_452 = arith.maximumf %add3A_449, %max3A_451 : vector<3200x128xf32>
    %convert_element_type3A_453 = arith.truncf %max3A_452 : vector<3200x128xf32> to vector<3200x128xbf16>
    %dot_general3A_454 = arith.constant dense<0.000000e+00> : vector<3200x256xf32>
    %dot_general3A_455 = tpu.matmul %convert_element_type3A_45, %convert_element_type3A_419, %dot_general3A_454 {dimension_numbers = #tpu.dot_dimension_numbers<[1], [0], [0], [1], [0, 0, 1, 1], [], []>, transpose_lhs_hint = false} : vector<3200x200xbf16>, vector<200x256xbf16>, vector<3200x256xf32> -> vector<3200x256xf32>
    %get3A_456 = arith.constant 0 : index
    %get3A_457 = arith.constant 0 : index
    %get3A_458 = vector.load %arg58[%get3A_456, %get3A_457] : memref<128x256xbf16, #tpu.memory_space<vmem>>, vector<128x256xbf16>
    %dot_general3A_459 = arith.constant dense<0.000000e+00> : vector<3200x256xf32>
    %dot_general3A_460 = tpu.matmul %convert_element_type3A_453, %get3A_458, %dot_general3A_459 {dimension_numbers = #tpu.dot_dimension_numbers<[1], [0], [0], [1], [0, 0, 1, 1], [], []>, transpose_lhs_hint = false} : vector<3200x128xbf16>, vector<128x256xbf16>, vector<3200x256xf32> -> vector<3200x256xf32>
    %add3A_461 = arith.addf %dot_general3A_455, %dot_general3A_460 : vector<3200x256xf32>
    %get3A_462 = arith.constant 0 : index
    %get3A_463 = arith.constant 0 : index
    %get3A_464 = vector.load %arg59[%get3A_462, %get3A_463] : memref<1x256xf32, #tpu.memory_space<vmem>>, vector<1x256xf32>
    %add3A_465 = vector.broadcast %get3A_464 : vector<1x256xf32> to vector<3200x256xf32>
    %add3A_466 = arith.addf %add3A_461, %add3A_465 : vector<3200x256xf32>
    %max3A_467 = arith.constant 0.000000e+00 : f32
    %max3A_468 = vector.broadcast %max3A_467 : f32 to vector<3200x256xf32>
    %max3A_469 = arith.maximumf %add3A_466, %max3A_468 : vector<3200x256xf32>
    %get3A_470 = arith.constant 0 : index
    %get3A_471 = arith.constant 0 : index
    %get3A_472 = vector.load %arg60[%get3A_470, %get3A_471] : memref<256x256xbf16, #tpu.memory_space<vmem>>, vector<256x256xbf16>
    %convert_element_type3A_473 = arith.truncf %max3A_469 : vector<3200x256xf32> to vector<3200x256xbf16>
    %dot_general3A_474 = arith.constant dense<0.000000e+00> : vector<3200x256xf32>
    %dot_general3A_475 = tpu.matmul %convert_element_type3A_473, %get3A_472, %dot_general3A_474 {dimension_numbers = #tpu.dot_dimension_numbers<[1], [0], [0], [1], [0, 0, 1, 1], [], []>, transpose_lhs_hint = false} : vector<3200x256xbf16>, vector<256x256xbf16>, vector<3200x256xf32> -> vector<3200x256xf32>
    %get3A_476 = arith.constant 0 : index
    %get3A_477 = arith.constant 0 : index
    %get3A_478 = vector.load %arg61[%get3A_476, %get3A_477] : memref<1x256xf32, #tpu.memory_space<vmem>>, vector<1x256xf32>
    %add3A_479 = vector.broadcast %get3A_478 : vector<1x256xf32> to vector<3200x256xf32>
    %add3A_480 = arith.addf %dot_general3A_475, %add3A_479 : vector<3200x256xf32>
    %max3A_481 = arith.constant 0.000000e+00 : f32
    %max3A_482 = vector.broadcast %max3A_481 : f32 to vector<3200x256xf32>
    %max3A_483 = arith.maximumf %add3A_480, %max3A_482 : vector<3200x256xf32>
    %convert_element_type3A_484 = arith.truncf %max3A_483 : vector<3200x256xf32> to vector<3200x256xbf16>
    %dot_general3A_485 = arith.constant dense<0.000000e+00> : vector<200x256xf32>
    %dot_general3A_486 = tpu.matmul %convert_element_type3A_56, %convert_element_type3A_484, %dot_general3A_485 {dimension_numbers = #tpu.dot_dimension_numbers<[1], [0], [0], [1], [0, 0, 1, 1], [], []>, transpose_lhs_hint = false} : vector<200x3200xbf16>, vector<3200x256xbf16>, vector<200x256xf32> -> vector<200x256xf32>
    %mul3A_487 = vector.broadcast %div3A_63 : vector<200x1xf32> to vector<200x256xf32>
    %mul3A_488 = arith.mulf %dot_general3A_486, %mul3A_487 : vector<200x256xf32>
    %slice3A_489 = vector.extract_strided_slice %dot_general3A_413 {offsets = [0, 512], sizes = [200, 256], strides = [1, 1]} : vector<200x768xf32> to vector<200x256xf32>
    %get3A_490 = arith.constant 0 : index
    %get3A_491 = arith.constant 0 : index
    %get3A_492 = vector.load %arg62[%get3A_490, %get3A_491] : memref<256x256xbf16, #tpu.memory_space<vmem>>, vector<256x256xbf16>
    %convert_element_type3A_493 = arith.truncf %mul3A_488 : vector<200x256xf32> to vector<200x256xbf16>
    %dot_general3A_494 = arith.constant dense<0.000000e+00> : vector<200x256xf32>
    %dot_general3A_495 = tpu.matmul %convert_element_type3A_493, %get3A_492, %dot_general3A_494 {dimension_numbers = #tpu.dot_dimension_numbers<[1], [0], [0], [1], [0, 0, 1, 1], [], []>, transpose_lhs_hint = false} : vector<200x256xbf16>, vector<256x256xbf16>, vector<200x256xf32> -> vector<200x256xf32>
    %add3A_496 = arith.addf %slice3A_489, %dot_general3A_495 : vector<200x256xf32>
    %get3A_497 = arith.constant 0 : index
    %get3A_498 = arith.constant 0 : index
    %get3A_499 = vector.load %arg63[%get3A_497, %get3A_498] : memref<1x256xf32, #tpu.memory_space<vmem>>, vector<1x256xf32>
    %mul3A_500 = vector.broadcast %mul3A_64 : vector<200x1xf32> to vector<200x256xf32>
    %mul3A_501 = vector.broadcast %get3A_499 : vector<1x256xf32> to vector<200x256xf32>
    %mul3A_502 = arith.mulf %mul3A_500, %mul3A_501 : vector<200x256xf32>
    %add3A_503 = arith.addf %add3A_496, %mul3A_502 : vector<200x256xf32>
    %get3A_504 = arith.constant 0 : index
    %get3A_505 = arith.constant 0 : index
    %get3A_506 = vector.load %arg64[%get3A_504, %get3A_505] : memref<1x256xf32, #tpu.memory_space<vmem>>, vector<1x256xf32>
    %add3A_507 = vector.broadcast %get3A_506 : vector<1x256xf32> to vector<200x256xf32>
    %add3A_508 = arith.addf %add3A_503, %add3A_507 : vector<200x256xf32>
    %max3A_509 = arith.constant 0.000000e+00 : f32
    %max3A_510 = vector.broadcast %max3A_509 : f32 to vector<200x256xf32>
    %max3A_511 = arith.maximumf %add3A_508, %max3A_510 : vector<200x256xf32>
    %get3A_512 = arith.constant 0 : index
    %get3A_513 = arith.constant 0 : index
    %get3A_514 = vector.load %arg65[%get3A_512, %get3A_513] : memref<256x128xbf16, #tpu.memory_space<vmem>>, vector<256x128xbf16>
    %convert_element_type3A_515 = arith.truncf %max3A_511 : vector<200x256xf32> to vector<200x256xbf16>
    %dot_general3A_516 = arith.constant dense<0.000000e+00> : vector<200x128xf32>
    %dot_general3A_517 = tpu.matmul %convert_element_type3A_515, %get3A_514, %dot_general3A_516 {dimension_numbers = #tpu.dot_dimension_numbers<[1], [0], [0], [1], [0, 0, 1, 1], [], []>, transpose_lhs_hint = false} : vector<200x256xbf16>, vector<256x128xbf16>, vector<200x128xf32> -> vector<200x128xf32>
    %get3A_518 = arith.constant 0 : index
    %get3A_519 = arith.constant 0 : index
    %get3A_520 = vector.load %arg66[%get3A_518, %get3A_519] : memref<1x128xf32, #tpu.memory_space<vmem>>, vector<1x128xf32>
    %add3A_521 = vector.broadcast %get3A_520 : vector<1x128xf32> to vector<200x128xf32>
    %add3A_522 = arith.addf %dot_general3A_517, %add3A_521 : vector<200x128xf32>
    %convert_element_type3A_523 = arith.truncf %add3A_522 : vector<200x128xf32> to vector<200x128xbf16>
    %get3A_524 = arith.constant 0 : index
    %get3A_525 = arith.constant 0 : index
    %get3A_526 = vector.load %arg71[%get3A_524, %get3A_525] : memref<128x768xbf16, #tpu.memory_space<vmem>>, vector<128x768xbf16>
    %dot_general3A_527 = arith.constant dense<0.000000e+00> : vector<200x768xf32>
    %dot_general3A_528 = tpu.matmul %convert_element_type3A_523, %get3A_526, %dot_general3A_527 {dimension_numbers = #tpu.dot_dimension_numbers<[1], [0], [0], [1], [0, 0, 1, 1], [], []>, transpose_lhs_hint = false} : vector<200x128xbf16>, vector<128x768xbf16>, vector<200x768xf32> -> vector<200x768xf32>
    %slice3A_529 = vector.extract_strided_slice %dot_general3A_528 {offsets = [0, 0], sizes = [200, 128], strides = [1, 1]} : vector<200x768xf32> to vector<200x128xf32>
    %convert_element_type3A_530 = arith.truncf %slice3A_529 : vector<200x128xf32> to vector<200x128xbf16>
    %slice3A_531 = vector.extract_strided_slice %dot_general3A_528 {offsets = [0, 128], sizes = [200, 128], strides = [1, 1]} : vector<200x768xf32> to vector<200x128xf32>
    %convert_element_type3A_532 = arith.truncf %slice3A_531 : vector<200x128xf32> to vector<200x128xbf16>
    %slice3A_533 = vector.extract_strided_slice %dot_general3A_528 {offsets = [0, 256], sizes = [200, 256], strides = [1, 1]} : vector<200x768xf32> to vector<200x256xf32>
    %convert_element_type3A_534 = arith.truncf %slice3A_533 : vector<200x256xf32> to vector<200x256xbf16>
    %get3A_535 = arith.constant 0 : index
    %get3A_536 = arith.constant 0 : index
    %get3A_537 = vector.load %arg67[%get3A_535, %get3A_536] : memref<128x128xbf16, #tpu.memory_space<vmem>>, vector<128x128xbf16>
    %dot_general3A_538 = arith.constant dense<0.000000e+00> : vector<3200x128xf32>
    %dot_general3A_539 = tpu.matmul %convert_element_type3A_453, %get3A_537, %dot_general3A_538 {dimension_numbers = #tpu.dot_dimension_numbers<[1], [0], [0], [1], [0, 0, 1, 1], [], []>, transpose_lhs_hint = false} : vector<3200x128xbf16>, vector<128x128xbf16>, vector<3200x128xf32> -> vector<3200x128xf32>
    %dot_general3A_540 = arith.constant dense<0.000000e+00> : vector<3200x128xf32>
    %dot_general3A_541 = tpu.matmul %convert_element_type3A_45, %convert_element_type3A_530, %dot_general3A_540 {dimension_numbers = #tpu.dot_dimension_numbers<[1], [0], [0], [1], [0, 0, 1, 1], [], []>, transpose_lhs_hint = false} : vector<3200x200xbf16>, vector<200x128xbf16>, vector<3200x128xf32> -> vector<3200x128xf32>
    %dot_general3A_542 = arith.constant dense<0.000000e+00> : vector<3200x128xf32>
    %dot_general3A_543 = tpu.matmul %convert_element_type3A_50, %convert_element_type3A_532, %dot_general3A_542 {dimension_numbers = #tpu.dot_dimension_numbers<[1], [0], [0], [1], [0, 0, 1, 1], [], []>, transpose_lhs_hint = false} : vector<3200x200xbf16>, vector<200x128xbf16>, vector<3200x128xf32> -> vector<3200x128xf32>
    %add3A_544 = arith.addf %dot_general3A_541, %dot_general3A_543 : vector<3200x128xf32>
    %add3A_545 = arith.addf %add3A_544, %dot_general3A_539 : vector<3200x128xf32>
    %get3A_546 = arith.constant 0 : index
    %get3A_547 = arith.constant 0 : index
    %get3A_548 = vector.load %arg68[%get3A_546, %get3A_547] : memref<1x128xf32, #tpu.memory_space<vmem>>, vector<1x128xf32>
    %add3A_549 = vector.broadcast %get3A_548 : vector<1x128xf32> to vector<3200x128xf32>
    %add3A_550 = arith.addf %add3A_545, %add3A_549 : vector<3200x128xf32>
    %max3A_551 = arith.constant 0.000000e+00 : f32
    %max3A_552 = vector.broadcast %max3A_551 : f32 to vector<3200x128xf32>
    %max3A_553 = arith.maximumf %add3A_550, %max3A_552 : vector<3200x128xf32>
    %get3A_554 = arith.constant 0 : index
    %get3A_555 = arith.constant 0 : index
    %get3A_556 = vector.load %arg69[%get3A_554, %get3A_555] : memref<128x128xbf16, #tpu.memory_space<vmem>>, vector<128x128xbf16>
    %convert_element_type3A_557 = arith.truncf %max3A_553 : vector<3200x128xf32> to vector<3200x128xbf16>
    %dot_general3A_558 = arith.constant dense<0.000000e+00> : vector<3200x128xf32>
    %dot_general3A_559 = tpu.matmul %convert_element_type3A_557, %get3A_556, %dot_general3A_558 {dimension_numbers = #tpu.dot_dimension_numbers<[1], [0], [0], [1], [0, 0, 1, 1], [], []>, transpose_lhs_hint = false} : vector<3200x128xbf16>, vector<128x128xbf16>, vector<3200x128xf32> -> vector<3200x128xf32>
    %get3A_560 = arith.constant 0 : index
    %get3A_561 = arith.constant 0 : index
    %get3A_562 = vector.load %arg70[%get3A_560, %get3A_561] : memref<1x128xf32, #tpu.memory_space<vmem>>, vector<1x128xf32>
    %add3A_563 = vector.broadcast %get3A_562 : vector<1x128xf32> to vector<3200x128xf32>
    %add3A_564 = arith.addf %dot_general3A_559, %add3A_563 : vector<3200x128xf32>
    %max3A_565 = arith.constant 0.000000e+00 : f32
    %max3A_566 = vector.broadcast %max3A_565 : f32 to vector<3200x128xf32>
    %max3A_567 = arith.maximumf %add3A_564, %max3A_566 : vector<3200x128xf32>
    %convert_element_type3A_568 = arith.truncf %max3A_567 : vector<3200x128xf32> to vector<3200x128xbf16>
    %dot_general3A_569 = arith.constant dense<0.000000e+00> : vector<3200x256xf32>
    %dot_general3A_570 = tpu.matmul %convert_element_type3A_45, %convert_element_type3A_534, %dot_general3A_569 {dimension_numbers = #tpu.dot_dimension_numbers<[1], [0], [0], [1], [0, 0, 1, 1], [], []>, transpose_lhs_hint = false} : vector<3200x200xbf16>, vector<200x256xbf16>, vector<3200x256xf32> -> vector<3200x256xf32>
    %get3A_571 = arith.constant 0 : index
    %get3A_572 = arith.constant 0 : index
    %get3A_573 = vector.load %arg72[%get3A_571, %get3A_572] : memref<128x256xbf16, #tpu.memory_space<vmem>>, vector<128x256xbf16>
    %dot_general3A_574 = arith.constant dense<0.000000e+00> : vector<3200x256xf32>
    %dot_general3A_575 = tpu.matmul %convert_element_type3A_568, %get3A_573, %dot_general3A_574 {dimension_numbers = #tpu.dot_dimension_numbers<[1], [0], [0], [1], [0, 0, 1, 1], [], []>, transpose_lhs_hint = false} : vector<3200x128xbf16>, vector<128x256xbf16>, vector<3200x256xf32> -> vector<3200x256xf32>
    %add3A_576 = arith.addf %dot_general3A_570, %dot_general3A_575 : vector<3200x256xf32>
    %get3A_577 = arith.constant 0 : index
    %get3A_578 = arith.constant 0 : index
    %get3A_579 = vector.load %arg73[%get3A_577, %get3A_578] : memref<1x256xf32, #tpu.memory_space<vmem>>, vector<1x256xf32>
    %add3A_580 = vector.broadcast %get3A_579 : vector<1x256xf32> to vector<3200x256xf32>
    %add3A_581 = arith.addf %add3A_576, %add3A_580 : vector<3200x256xf32>
    %max3A_582 = arith.constant 0.000000e+00 : f32
    %max3A_583 = vector.broadcast %max3A_582 : f32 to vector<3200x256xf32>
    %max3A_584 = arith.maximumf %add3A_581, %max3A_583 : vector<3200x256xf32>
    %get3A_585 = arith.constant 0 : index
    %get3A_586 = arith.constant 0 : index
    %get3A_587 = vector.load %arg74[%get3A_585, %get3A_586] : memref<256x256xbf16, #tpu.memory_space<vmem>>, vector<256x256xbf16>
    %convert_element_type3A_588 = arith.truncf %max3A_584 : vector<3200x256xf32> to vector<3200x256xbf16>
    %dot_general3A_589 = arith.constant dense<0.000000e+00> : vector<3200x256xf32>
    %dot_general3A_590 = tpu.matmul %convert_element_type3A_588, %get3A_587, %dot_general3A_589 {dimension_numbers = #tpu.dot_dimension_numbers<[1], [0], [0], [1], [0, 0, 1, 1], [], []>, transpose_lhs_hint = false} : vector<3200x256xbf16>, vector<256x256xbf16>, vector<3200x256xf32> -> vector<3200x256xf32>
    %get3A_591 = arith.constant 0 : index
    %get3A_592 = arith.constant 0 : index
    %get3A_593 = vector.load %arg75[%get3A_591, %get3A_592] : memref<1x256xf32, #tpu.memory_space<vmem>>, vector<1x256xf32>
    %add3A_594 = vector.broadcast %get3A_593 : vector<1x256xf32> to vector<3200x256xf32>
    %add3A_595 = arith.addf %dot_general3A_590, %add3A_594 : vector<3200x256xf32>
    %max3A_596 = arith.constant 0.000000e+00 : f32
    %max3A_597 = vector.broadcast %max3A_596 : f32 to vector<3200x256xf32>
    %max3A_598 = arith.maximumf %add3A_595, %max3A_597 : vector<3200x256xf32>
    %convert_element_type3A_599 = arith.truncf %max3A_598 : vector<3200x256xf32> to vector<3200x256xbf16>
    %dot_general3A_600 = arith.constant dense<0.000000e+00> : vector<200x256xf32>
    %dot_general3A_601 = tpu.matmul %convert_element_type3A_56, %convert_element_type3A_599, %dot_general3A_600 {dimension_numbers = #tpu.dot_dimension_numbers<[1], [0], [0], [1], [0, 0, 1, 1], [], []>, transpose_lhs_hint = false} : vector<200x3200xbf16>, vector<3200x256xbf16>, vector<200x256xf32> -> vector<200x256xf32>
    %mul3A_602 = vector.broadcast %div3A_63 : vector<200x1xf32> to vector<200x256xf32>
    %mul3A_603 = arith.mulf %dot_general3A_601, %mul3A_602 : vector<200x256xf32>
    %slice3A_604 = vector.extract_strided_slice %dot_general3A_528 {offsets = [0, 512], sizes = [200, 256], strides = [1, 1]} : vector<200x768xf32> to vector<200x256xf32>
    %get3A_605 = arith.constant 0 : index
    %get3A_606 = arith.constant 0 : index
    %get3A_607 = vector.load %arg76[%get3A_605, %get3A_606] : memref<256x256xbf16, #tpu.memory_space<vmem>>, vector<256x256xbf16>
    %convert_element_type3A_608 = arith.truncf %mul3A_603 : vector<200x256xf32> to vector<200x256xbf16>
    %dot_general3A_609 = arith.constant dense<0.000000e+00> : vector<200x256xf32>
    %dot_general3A_610 = tpu.matmul %convert_element_type3A_608, %get3A_607, %dot_general3A_609 {dimension_numbers = #tpu.dot_dimension_numbers<[1], [0], [0], [1], [0, 0, 1, 1], [], []>, transpose_lhs_hint = false} : vector<200x256xbf16>, vector<256x256xbf16>, vector<200x256xf32> -> vector<200x256xf32>
    %add3A_611 = arith.addf %slice3A_604, %dot_general3A_610 : vector<200x256xf32>
    %get3A_612 = arith.constant 0 : index
    %get3A_613 = arith.constant 0 : index
    %get3A_614 = vector.load %arg77[%get3A_612, %get3A_613] : memref<1x256xf32, #tpu.memory_space<vmem>>, vector<1x256xf32>
    %mul3A_615 = vector.broadcast %mul3A_64 : vector<200x1xf32> to vector<200x256xf32>
    %mul3A_616 = vector.broadcast %get3A_614 : vector<1x256xf32> to vector<200x256xf32>
    %mul3A_617 = arith.mulf %mul3A_615, %mul3A_616 : vector<200x256xf32>
    %add3A_618 = arith.addf %add3A_611, %mul3A_617 : vector<200x256xf32>
    %get3A_619 = arith.constant 0 : index
    %get3A_620 = arith.constant 0 : index
    %get3A_621 = vector.load %arg78[%get3A_619, %get3A_620] : memref<1x256xf32, #tpu.memory_space<vmem>>, vector<1x256xf32>
    %add3A_622 = vector.broadcast %get3A_621 : vector<1x256xf32> to vector<200x256xf32>
    %add3A_623 = arith.addf %add3A_618, %add3A_622 : vector<200x256xf32>
    %max3A_624 = arith.constant 0.000000e+00 : f32
    %max3A_625 = vector.broadcast %max3A_624 : f32 to vector<200x256xf32>
    %max3A_626 = arith.maximumf %add3A_623, %max3A_625 : vector<200x256xf32>
    %get3A_627 = arith.constant 0 : index
    %get3A_628 = arith.constant 0 : index
    %get3A_629 = vector.load %arg79[%get3A_627, %get3A_628] : memref<256x128xbf16, #tpu.memory_space<vmem>>, vector<256x128xbf16>
    %convert_element_type3A_630 = arith.truncf %max3A_626 : vector<200x256xf32> to vector<200x256xbf16>
    %dot_general3A_631 = arith.constant dense<0.000000e+00> : vector<200x128xf32>
    %dot_general3A_632 = tpu.matmul %convert_element_type3A_630, %get3A_629, %dot_general3A_631 {dimension_numbers = #tpu.dot_dimension_numbers<[1], [0], [0], [1], [0, 0, 1, 1], [], []>, transpose_lhs_hint = false} : vector<200x256xbf16>, vector<256x128xbf16>, vector<200x128xf32> -> vector<200x128xf32>
    %get3A_633 = arith.constant 0 : index
    %get3A_634 = arith.constant 0 : index
    %get3A_635 = vector.load %arg80[%get3A_633, %get3A_634] : memref<1x128xf32, #tpu.memory_space<vmem>>, vector<1x128xf32>
    %add3A_636 = vector.broadcast %get3A_635 : vector<1x128xf32> to vector<200x128xf32>
    %add3A_637 = arith.addf %dot_general3A_632, %add3A_636 : vector<200x128xf32>
    %get3A_638 = arith.constant 0 : index
    %get3A_639 = arith.constant 0 : index
    %get3A_640 = arith.constant 0 : index
    %get3A_641 = vector.load %arg6[%get3A_638, %get3A_639, %get3A_640] : memref<1x8x1xi32, #tpu.memory_space<vmem>>, vector<1x8x1xi32>
    %get3A_642 = vector.shape_cast %get3A_641 : vector<1x8x1xi32> to vector<8x1xi32>
    %get3A_643 = arith.constant 0 : index
    %get3A_644 = arith.constant 0 : index
    %get3A_645 = arith.constant 0 : index
    %get3A_646 = vector.load %arg7[%get3A_643, %get3A_644, %get3A_645] : memref<1x8x1xi32, #tpu.memory_space<vmem>>, vector<1x8x1xi32>
    %get3A_647 = vector.shape_cast %get3A_646 : vector<1x8x1xi32> to vector<8x1xi32>
    %get3A_648 = arith.constant 0 : index
    %get3A_649 = arith.constant 0 : index
    %get3A_650 = arith.constant 0 : index
    %get3A_651 = vector.load %arg8[%get3A_648, %get3A_649, %get3A_650] : memref<1x8x1xi32, #tpu.memory_space<vmem>>, vector<1x8x1xi32>
    %get3A_652 = vector.shape_cast %get3A_651 : vector<1x8x1xi32> to vector<8x1xi32>
    %iota3A_653 = tpu.iota {dimensions = array<i32: 1>} : vector<8x200xi32>
    %iota3A_654 = tpu.iota {dimensions = array<i32: 1>} : vector<8x3200xi32>
    %convert_element_type3A_655 = arith.truncf %add3A_637 : vector<200x128xf32> to vector<200x128xbf16>
    %eq3A_656 = vector.broadcast %get3A_642 : vector<8x1xi32> to vector<8x200xi32>
    %eq3A_657 = arith.cmpi eq, %iota3A_653, %eq3A_656 : vector<8x200xi32>
    %convert_element_type3A_658 = arith.extui %eq3A_657 : vector<8x200xi1> to vector<8x200xi32>
    %convert_element_type3A_659 = arith.sitofp %convert_element_type3A_658 : vector<8x200xi32> to vector<8x200xf32>
    %convert_element_type3A_660 = arith.truncf %convert_element_type3A_659 : vector<8x200xf32> to vector<8x200xbf16>
    %dot_general3A_661 = arith.constant dense<0.000000e+00> : vector<8x128xf32>
    %dot_general3A_662 = tpu.matmul %convert_element_type3A_660, %convert_element_type3A_655, %dot_general3A_661 {dimension_numbers = #tpu.dot_dimension_numbers<[1], [0], [0], [1], [0, 0, 1, 1], [], []>, transpose_lhs_hint = false} : vector<8x200xbf16>, vector<200x128xbf16>, vector<8x128xf32> -> vector<8x128xf32>
    %convert_element_type3A_663 = arith.truncf %dot_general3A_662 : vector<8x128xf32> to vector<8x128xbf16>
    %eq3A_664 = vector.broadcast %get3A_647 : vector<8x1xi32> to vector<8x200xi32>
    %eq3A_665 = arith.cmpi eq, %iota3A_653, %eq3A_664 : vector<8x200xi32>
    %convert_element_type3A_666 = arith.extui %eq3A_665 : vector<8x200xi1> to vector<8x200xi32>
    %convert_element_type3A_667 = arith.sitofp %convert_element_type3A_666 : vector<8x200xi32> to vector<8x200xf32>
    %convert_element_type3A_668 = arith.truncf %convert_element_type3A_667 : vector<8x200xf32> to vector<8x200xbf16>
    %dot_general3A_669 = arith.constant dense<0.000000e+00> : vector<8x128xf32>
    %dot_general3A_670 = tpu.matmul %convert_element_type3A_668, %convert_element_type3A_655, %dot_general3A_669 {dimension_numbers = #tpu.dot_dimension_numbers<[1], [0], [0], [1], [0, 0, 1, 1], [], []>, transpose_lhs_hint = false} : vector<8x200xbf16>, vector<200x128xbf16>, vector<8x128xf32> -> vector<8x128xf32>
    %convert_element_type3A_671 = arith.truncf %dot_general3A_670 : vector<8x128xf32> to vector<8x128xbf16>
    %eq3A_672 = vector.broadcast %get3A_652 : vector<8x1xi32> to vector<8x3200xi32>
    %eq3A_673 = arith.cmpi eq, %iota3A_654, %eq3A_672 : vector<8x3200xi32>
    %convert_element_type3A_674 = arith.extui %eq3A_673 : vector<8x3200xi1> to vector<8x3200xi32>
    %convert_element_type3A_675 = arith.sitofp %convert_element_type3A_674 : vector<8x3200xi32> to vector<8x3200xf32>
    %convert_element_type3A_676 = arith.truncf %convert_element_type3A_675 : vector<8x3200xf32> to vector<8x3200xbf16>
    %dot_general3A_677 = arith.constant dense<0.000000e+00> : vector<8x128xf32>
    %dot_general3A_678 = tpu.matmul %convert_element_type3A_676, %convert_element_type3A_568, %dot_general3A_677 {dimension_numbers = #tpu.dot_dimension_numbers<[1], [0], [0], [1], [0, 0, 1, 1], [], []>, transpose_lhs_hint = false} : vector<8x3200xbf16>, vector<3200x128xbf16>, vector<8x128xf32> -> vector<8x128xf32>
    %convert_element_type3A_679 = arith.truncf %dot_general3A_678 : vector<8x128xf32> to vector<8x128xbf16>
    %get3A_680 = arith.constant 0 : index
    %get3A_681 = arith.constant 0 : index
    %get3A_682 = vector.load %arg85[%get3A_680, %get3A_681] : memref<128x128xbf16, #tpu.memory_space<vmem>>, vector<128x128xbf16>
    %dot_general3A_683 = arith.constant dense<0.000000e+00> : vector<8x128xf32>
    %dot_general3A_684 = tpu.matmul %convert_element_type3A_663, %get3A_682, %dot_general3A_683 {dimension_numbers = #tpu.dot_dimension_numbers<[1], [0], [0], [1], [0, 0, 1, 1], [], []>, transpose_lhs_hint = false} : vector<8x128xbf16>, vector<128x128xbf16>, vector<8x128xf32> -> vector<8x128xf32>
    %get3A_685 = arith.constant 0 : index
    %get3A_686 = arith.constant 0 : index
    %get3A_687 = vector.load %arg86[%get3A_685, %get3A_686] : memref<128x128xbf16, #tpu.memory_space<vmem>>, vector<128x128xbf16>
    %dot_general3A_688 = arith.constant dense<0.000000e+00> : vector<8x128xf32>
    %dot_general3A_689 = tpu.matmul %convert_element_type3A_671, %get3A_687, %dot_general3A_688 {dimension_numbers = #tpu.dot_dimension_numbers<[1], [0], [0], [1], [0, 0, 1, 1], [], []>, transpose_lhs_hint = false} : vector<8x128xbf16>, vector<128x128xbf16>, vector<8x128xf32> -> vector<8x128xf32>
    %add3A_690 = arith.addf %dot_general3A_684, %dot_general3A_689 : vector<8x128xf32>
    %get3A_691 = arith.constant 0 : index
    %get3A_692 = arith.constant 0 : index
    %get3A_693 = vector.load %arg81[%get3A_691, %get3A_692] : memref<128x128xbf16, #tpu.memory_space<vmem>>, vector<128x128xbf16>
    %dot_general3A_694 = arith.constant dense<0.000000e+00> : vector<8x128xf32>
    %dot_general3A_695 = tpu.matmul %convert_element_type3A_679, %get3A_693, %dot_general3A_694 {dimension_numbers = #tpu.dot_dimension_numbers<[1], [0], [0], [1], [0, 0, 1, 1], [], []>, transpose_lhs_hint = false} : vector<8x128xbf16>, vector<128x128xbf16>, vector<8x128xf32> -> vector<8x128xf32>
    %add3A_696 = arith.addf %add3A_690, %dot_general3A_695 : vector<8x128xf32>
    %get3A_697 = arith.constant 0 : index
    %get3A_698 = arith.constant 0 : index
    %get3A_699 = vector.load %arg82[%get3A_697, %get3A_698] : memref<1x128xf32, #tpu.memory_space<vmem>>, vector<1x128xf32>
    %add3A_700 = vector.broadcast %get3A_699 : vector<1x128xf32> to vector<8x128xf32>
    %add3A_701 = arith.addf %add3A_696, %add3A_700 : vector<8x128xf32>
    %max3A_702 = arith.constant 0.000000e+00 : f32
    %max3A_703 = vector.broadcast %max3A_702 : f32 to vector<8x128xf32>
    %max3A_704 = arith.maximumf %add3A_701, %max3A_703 : vector<8x128xf32>
    %get3A_705 = arith.constant 0 : index
    %get3A_706 = arith.constant 0 : index
    %get3A_707 = vector.load %arg83[%get3A_705, %get3A_706] : memref<128x128xbf16, #tpu.memory_space<vmem>>, vector<128x128xbf16>
    %convert_element_type3A_708 = arith.truncf %max3A_704 : vector<8x128xf32> to vector<8x128xbf16>
    %dot_general3A_709 = arith.constant dense<0.000000e+00> : vector<8x128xf32>
    %dot_general3A_710 = tpu.matmul %convert_element_type3A_708, %get3A_707, %dot_general3A_709 {dimension_numbers = #tpu.dot_dimension_numbers<[1], [0], [0], [1], [0, 0, 1, 1], [], []>, transpose_lhs_hint = false} : vector<8x128xbf16>, vector<128x128xbf16>, vector<8x128xf32> -> vector<8x128xf32>
    %get3A_711 = arith.constant 0 : index
    %get3A_712 = arith.constant 0 : index
    %get3A_713 = vector.load %arg84[%get3A_711, %get3A_712] : memref<1x128xf32, #tpu.memory_space<vmem>>, vector<1x128xf32>
    %add3A_714 = vector.broadcast %get3A_713 : vector<1x128xf32> to vector<8x128xf32>
    %add3A_715 = arith.addf %dot_general3A_710, %add3A_714 : vector<8x128xf32>
    %max3A_716 = arith.constant 0.000000e+00 : f32
    %max3A_717 = vector.broadcast %max3A_716 : f32 to vector<8x128xf32>
    %max3A_718 = arith.maximumf %add3A_715, %max3A_717 : vector<8x128xf32>
    %get3A_719 = arith.constant 0 : index
    %get3A_720 = arith.constant 0 : index
    %get3A_721 = vector.load %arg87[%get3A_719, %get3A_720] : memref<128x128xbf16, #tpu.memory_space<vmem>>, vector<128x128xbf16>
    %convert_element_type3A_722 = arith.truncf %max3A_718 : vector<8x128xf32> to vector<8x128xbf16>
    %dot_general3A_723 = arith.constant dense<0.000000e+00> : vector<8x128xf32>
    %dot_general3A_724 = tpu.matmul %convert_element_type3A_722, %get3A_721, %dot_general3A_723 {dimension_numbers = #tpu.dot_dimension_numbers<[1], [0], [0], [1], [0, 0, 1, 1], [], []>, transpose_lhs_hint = false} : vector<8x128xbf16>, vector<128x128xbf16>, vector<8x128xf32> -> vector<8x128xf32>
    %get3A_725 = arith.constant 0 : index
    %get3A_726 = arith.constant 0 : index
    %get3A_727 = vector.load %arg88[%get3A_725, %get3A_726] : memref<1x128xf32, #tpu.memory_space<vmem>>, vector<1x128xf32>
    %add3A_728 = vector.broadcast %get3A_727 : vector<1x128xf32> to vector<8x128xf32>
    %add3A_729 = arith.addf %dot_general3A_724, %add3A_728 : vector<8x128xf32>
    %slice3A_730 = vector.extract_strided_slice %add3A_729 {offsets = [0, 0], sizes = [2, 128], strides = [1, 1]} : vector<8x128xf32> to vector<2x128xf32>
    %reduce_sum3A_731 = arith.constant dense<0.000000e+00> : vector<128xf32>
    %reduce_sum3A_732 = vector.multi_reduction <add>, %slice3A_730, %reduce_sum3A_731 [0] : vector<2x128xf32> to vector<128xf32>
    %broadcast_in_dim3A_733 = vector.shape_cast %reduce_sum3A_732 : vector<128xf32> to vector<1x128xf32>
    %get3A_734 = arith.constant 0 : index
    %get3A_735 = arith.constant 0 : index
    %get3A_736 = vector.load %arg89[%get3A_734, %get3A_735] : memref<128x128xbf16, #tpu.memory_space<vmem>>, vector<128x128xbf16>
    %convert_element_type3A_737 = arith.truncf %broadcast_in_dim3A_733 : vector<1x128xf32> to vector<1x128xbf16>
    %dot_general3A_738 = arith.constant dense<0.000000e+00> : vector<1x128xf32>
    %dot_general3A_739 = tpu.matmul %convert_element_type3A_737, %get3A_736, %dot_general3A_738 {dimension_numbers = #tpu.dot_dimension_numbers<[1], [0], [0], [1], [0, 0, 1, 1], [], []>, transpose_lhs_hint = false} : vector<1x128xbf16>, vector<128x128xbf16>, vector<1x128xf32> -> vector<1x128xf32>
    %get3A_740 = arith.constant 0 : index
    %get3A_741 = arith.constant 0 : index
    %get3A_742 = vector.load %arg90[%get3A_740, %get3A_741] : memref<1x128xf32, #tpu.memory_space<vmem>>, vector<1x128xf32>
    %add3A_743 = arith.addf %dot_general3A_739, %get3A_742 : vector<1x128xf32>
    %max3A_744 = arith.constant 0.000000e+00 : f32
    %max3A_745 = vector.broadcast %max3A_744 : f32 to vector<1x128xf32>
    %max3A_746 = arith.maximumf %add3A_743, %max3A_745 : vector<1x128xf32>
    %get3A_747 = arith.constant 0 : index
    %get3A_748 = arith.constant 0 : index
    %get3A_749 = vector.load %arg91[%get3A_747, %get3A_748] : memref<128x1xbf16, #tpu.memory_space<vmem>>, vector<128x1xbf16>
    %convert_element_type3A_750 = arith.truncf %max3A_746 : vector<1x128xf32> to vector<1x128xbf16>
    %dot_general3A_751 = arith.constant dense<0.000000e+00> : vector<1x1xf32>
    %dot_general3A_752 = tpu.matmul %convert_element_type3A_750, %get3A_749, %dot_general3A_751 {dimension_numbers = #tpu.dot_dimension_numbers<[1], [0], [0], [1], [0, 0, 1, 1], [], []>, transpose_lhs_hint = false} : vector<1x128xbf16>, vector<128x1xbf16>, vector<1x1xf32> -> vector<1x1xf32>
    %get3A_753 = arith.constant 0 : index
    %get3A_754 = arith.constant 0 : index
    %get3A_755 = vector.load %arg92[%get3A_753, %get3A_754] : memref<1x1xf32, #tpu.memory_space<vmem>>, vector<1x1xf32>
    %add3A_756 = arith.addf %dot_general3A_752, %get3A_755 : vector<1x1xf32>
    %swap3A = arith.constant 0 : index
    %swap3A_757 = arith.constant 0 : index
    %swap3A_758 = arith.constant 0 : index
    %swap3A_759 = vector.load %arg93[%swap3A, %swap3A_757, %swap3A_758] : memref<1x1x1xf32, #tpu.memory_space<vmem>>, vector<1x1x1xf32>
    %swap3A_760 = vector.shape_cast %swap3A_759 : vector<1x1x1xf32> to vector<1x1xf32>
    %swap3A_761 = vector.shape_cast %add3A_756 : vector<1x1xf32> to vector<1x1x1xf32>
    tpu.vector_store %arg93[%swap3A, %swap3A_757, %swap3A_758], %swap3A_761 {strides = array<i32>} : memref<1x1x1xf32, #tpu.memory_space<vmem>>, vector<1x1x1xf32>,
    return
  }
  func.func @transform_0(%arg0: i32) -> (i32, i32, i32) {
    %c0_i32 = arith.constant 0 : i32
    %c0_i32_0 = arith.constant 0 : i32
    %c0_i32_1 = arith.constant 0 : i32
    return %arg0, %c0_i32, %c0_i32_0 : i32, i32, i32
  }
  func.func @transform_1(%arg0: i32) -> (i32, i32, i32) {
    %c0_i32 = arith.constant 0 : i32
    %c0_i32_0 = arith.constant 0 : i32
    %c0_i32_1 = arith.constant 0 : i32
    return %arg0, %c0_i32, %c0_i32_0 : i32, i32, i32
  }
  func.func @transform_2(%arg0: i32) -> (i32, i32, i32) {
    %c0_i32 = arith.constant 0 : i32
    %c0_i32_0 = arith.constant 0 : i32
    %c0_i32_1 = arith.constant 0 : i32
    return %arg0, %c0_i32, %c0_i32_0 : i32, i32, i32
  }
  func.func @transform_3(%arg0: i32) -> (i32, i32, i32) {
    %c0_i32 = arith.constant 0 : i32
    %c0_i32_0 = arith.constant 0 : i32
    %c0_i32_1 = arith.constant 0 : i32
    return %arg0, %c0_i32, %c0_i32_0 : i32, i32, i32
  }
  func.func @transform_4(%arg0: i32) -> (i32, i32, i32) {
    %c0_i32 = arith.constant 0 : i32
    %c0_i32_0 = arith.constant 0 : i32
    %c0_i32_1 = arith.constant 0 : i32
    return %arg0, %c0_i32, %c0_i32_0 : i32, i32, i32
  }
  func.func @transform_5(%arg0: i32) -> (i32, i32, i32) {
    %c0_i32 = arith.constant 0 : i32
    %c0_i32_0 = arith.constant 0 : i32
    %c0_i32_1 = arith.constant 0 : i32
    return %arg0, %c0_i32, %c0_i32_0 : i32, i32, i32
  }
  func.func @transform_6(%arg0: i32) -> (i32, i32, i32) {
    %c0_i32 = arith.constant 0 : i32
    %c0_i32_0 = arith.constant 0 : i32
    %c0_i32_1 = arith.constant 0 : i32
    return %arg0, %c0_i32, %c0_i32_0 : i32, i32, i32
  }
  func.func @transform_7(%arg0: i32) -> (i32, i32, i32) {
    %c0_i32 = arith.constant 0 : i32
    %c0_i32_0 = arith.constant 0 : i32
    %c0_i32_1 = arith.constant 0 : i32
    return %arg0, %c0_i32, %c0_i32_0 : i32, i32, i32
  }
  func.func @transform_8(%arg0: i32) -> (i32, i32) {
    %c0_i32 = arith.constant 0 : i32
    %c0_i32_0 = arith.constant 0 : i32
    %c0_i32_1 = arith.constant 0 : i32
    return %c0_i32, %c0_i32_0 : i32, i32
  }
  func.func @transform_9(%arg0: i32) -> (i32, i32) {
    %c0_i32 = arith.constant 0 : i32
    %c0_i32_0 = arith.constant 0 : i32
    %c0_i32_1 = arith.constant 0 : i32
    return %c0_i32, %c0_i32_0 : i32, i32
  }
  func.func @transform_10(%arg0: i32) -> (i32, i32) {
    %c0_i32 = arith.constant 0 : i32
    %c0_i32_0 = arith.constant 0 : i32
    %c0_i32_1 = arith.constant 0 : i32
    return %c0_i32, %c0_i32_0 : i32, i32
  }
  func.func @transform_11(%arg0: i32) -> (i32, i32) {
    %c0_i32 = arith.constant 0 : i32
    %c0_i32_0 = arith.constant 0 : i32
    %c0_i32_1 = arith.constant 0 : i32
    return %c0_i32, %c0_i32_0 : i32, i32
  }
  func.func @transform_12(%arg0: i32) -> (i32, i32) {
    %c0_i32 = arith.constant 0 : i32
    %c0_i32_0 = arith.constant 0 : i32
    %c0_i32_1 = arith.constant 0 : i32
    return %c0_i32, %c0_i32_0 : i32, i32
  }
  func.func @transform_13(%arg0: i32) -> (i32, i32) {
    %c0_i32 = arith.constant 0 : i32
    %c0_i32_0 = arith.constant 0 : i32
    %c0_i32_1 = arith.constant 0 : i32
    return %c0_i32, %c0_i32_0 : i32, i32
  }
  func.func @transform_14(%arg0: i32) -> (i32, i32) {
    %c0_i32 = arith.constant 0 : i32
    %c0_i32_0 = arith.constant 0 : i32
    %c0_i32_1 = arith.constant 0 : i32
    return %c0_i32, %c0_i32_0 : i32, i32
  }
  func.func @transform_15(%arg0: i32) -> (i32, i32) {
    %c0_i32 = arith.constant 0 : i32
    %c0_i32_0 = arith.constant 0 : i32
    %c0_i32_1 = arith.constant 0 : i32
    return %c0_i32, %c0_i32_0 : i32, i32
  }
  func.func @transform_16(%arg0: i32) -> (i32, i32) {
    %c0_i32 = arith.constant 0 : i32
    %c0_i32_0 = arith.constant 0 : i32
    %c0_i32_1 = arith.constant 0 : i32
    return %c0_i32, %c0_i32_0 : i32, i32
  }
  func.func @transform_17(%arg0: i32) -> (i32, i32) {
    %c0_i32 = arith.constant 0 : i32
    %c0_i32_0 = arith.constant 0 : i32
    %c0_i32_1 = arith.constant 0 : i32
    return %c0_i32, %c0_i32_0 : i32, i32
  }
  func.func @transform_18(%arg0: i32) -> (i32, i32) {
    %c0_i32 = arith.constant 0 : i32
    %c0_i32_0 = arith.constant 0 : i32
    %c0_i32_1 = arith.constant 0 : i32
    return %c0_i32, %c0_i32_0 : i32, i32
  }
  func.func @transform_19(%arg0: i32) -> (i32, i32) {
    %c0_i32 = arith.constant 0 : i32
    %c0_i32_0 = arith.constant 0 : i32
    %c0_i32_1 = arith.constant 0 : i32
    return %c0_i32, %c0_i32_0 : i32, i32
  }
  func.func @transform_20(%arg0: i32) -> (i32, i32) {
    %c0_i32 = arith.constant 0 : i32
    %c0_i32_0 = arith.constant 0 : i32
    %c0_i32_1 = arith.constant 0 : i32
    return %c0_i32, %c0_i32_0 : i32, i32
  }
  func.func @transform_21(%arg0: i32) -> (i32, i32) {
    %c0_i32 = arith.constant 0 : i32
    %c0_i32_0 = arith.constant 0 : i32
    %c0_i32_1 = arith.constant 0 : i32
    return %c0_i32, %c0_i32_0 : i32, i32
  }
  func.func @transform_22(%arg0: i32) -> (i32, i32) {
    %c0_i32 = arith.constant 0 : i32
    %c0_i32_0 = arith.constant 0 : i32
    %c0_i32_1 = arith.constant 0 : i32
    return %c0_i32, %c0_i32_0 : i32, i32
  }
  func.func @transform_23(%arg0: i32) -> (i32, i32) {
    %c0_i32 = arith.constant 0 : i32
    %c0_i32_0 = arith.constant 0 : i32
    %c0_i32_1 = arith.constant 0 : i32
    return %c0_i32, %c0_i32_0 : i32, i32
  }
  func.func @transform_24(%arg0: i32) -> (i32, i32) {
    %c0_i32 = arith.constant 0 : i32
    %c0_i32_0 = arith.constant 0 : i32
    %c0_i32_1 = arith.constant 0 : i32
    return %c0_i32, %c0_i32_0 : i32, i32
  }
  func.func @transform_25(%arg0: i32) -> (i32, i32) {
    %c0_i32 = arith.constant 0 : i32
    %c0_i32_0 = arith.constant 0 : i32
    %c0_i32_1 = arith.constant 0 : i32
    return %c0_i32, %c0_i32_0 : i32, i32
  }
  func.func @transform_26(%arg0: i32) -> (i32, i32) {
    %c0_i32 = arith.constant 0 : i32
    %c0_i32_0 = arith.constant 0 : i32
    %c0_i32_1 = arith.constant 0 : i32
    return %c0_i32, %c0_i32_0 : i32, i32
  }
  func.func @transform_27(%arg0: i32) -> (i32, i32) {
    %c0_i32 = arith.constant 0 : i32
    %c0_i32_0 = arith.constant 0 : i32
    %c0_i32_1 = arith.constant 0 : i32
    return %c0_i32, %c0_i32_0 : i32, i32
  }
  func.func @transform_28(%arg0: i32) -> (i32, i32) {
    %c0_i32 = arith.constant 0 : i32
    %c0_i32_0 = arith.constant 0 : i32
    %c0_i32_1 = arith.constant 0 : i32
    return %c0_i32, %c0_i32_0 : i32, i32
  }
  func.func @transform_29(%arg0: i32) -> (i32, i32) {
    %c0_i32 = arith.constant 0 : i32
    %c0_i32_0 = arith.constant 0 : i32
    %c0_i32_1 = arith.constant 0 : i32
    return %c0_i32, %c0_i32_0 : i32, i32
  }
  func.func @transform_30(%arg0: i32) -> (i32, i32) {
    %c0_i32 = arith.constant 0 : i32
    %c0_i32_0 = arith.constant 0 : i32
    %c0_i32_1 = arith.constant 0 : i32
    return %c0_i32, %c0_i32_0 : i32, i32
  }
  func.func @transform_31(%arg0: i32) -> (i32, i32) {
    %c0_i32 = arith.constant 0 : i32
    %c0_i32_0 = arith.constant 0 : i32
    %c0_i32_1 = arith.constant 0 : i32
    return %c0_i32, %c0_i32_0 : i32, i32
  }
  func.func @transform_32(%arg0: i32) -> (i32, i32) {
    %c0_i32 = arith.constant 0 : i32
    %c0_i32_0 = arith.constant 0 : i32
    %c0_i32_1 = arith.constant 0 : i32
    return %c0_i32, %c0_i32_0 : i32, i32
  }
  func.func @transform_33(%arg0: i32) -> (i32, i32) {
    %c0_i32 = arith.constant 0 : i32
    %c0_i32_0 = arith.constant 0 : i32
    %c0_i32_1 = arith.constant 0 : i32
    return %c0_i32, %c0_i32_0 : i32, i32
  }
  func.func @transform_34(%arg0: i32) -> (i32, i32) {
    %c0_i32 = arith.constant 0 : i32
    %c0_i32_0 = arith.constant 0 : i32
    %c0_i32_1 = arith.constant 0 : i32
    return %c0_i32, %c0_i32_0 : i32, i32
  }
  func.func @transform_35(%arg0: i32) -> (i32, i32) {
    %c0_i32 = arith.constant 0 : i32
    %c0_i32_0 = arith.constant 0 : i32
    %c0_i32_1 = arith.constant 0 : i32
    return %c0_i32, %c0_i32_0 : i32, i32
  }
  func.func @transform_36(%arg0: i32) -> (i32, i32) {
    %c0_i32 = arith.constant 0 : i32
    %c0_i32_0 = arith.constant 0 : i32
    %c0_i32_1 = arith.constant 0 : i32
    return %c0_i32, %c0_i32_0 : i32, i32
  }
  func.func @transform_37(%arg0: i32) -> (i32, i32) {
    %c0_i32 = arith.constant 0 : i32
    %c0_i32_0 = arith.constant 0 : i32
    %c0_i32_1 = arith.constant 0 : i32
    return %c0_i32, %c0_i32_0 : i32, i32
  }
  func.func @transform_38(%arg0: i32) -> (i32, i32) {
    %c0_i32 = arith.constant 0 : i32
    %c0_i32_0 = arith.constant 0 : i32
    %c0_i32_1 = arith.constant 0 : i32
    return %c0_i32, %c0_i32_0 : i32, i32
  }
  func.func @transform_39(%arg0: i32) -> (i32, i32) {
    %c0_i32 = arith.constant 0 : i32
    %c0_i32_0 = arith.constant 0 : i32
    %c0_i32_1 = arith.constant 0 : i32
    return %c0_i32, %c0_i32_0 : i32, i32
  }
  func.func @transform_40(%arg0: i32) -> (i32, i32) {
    %c0_i32 = arith.constant 0 : i32
    %c0_i32_0 = arith.constant 0 : i32
    %c0_i32_1 = arith.constant 0 : i32
    return %c0_i32, %c0_i32_0 : i32, i32
  }
  func.func @transform_41(%arg0: i32) -> (i32, i32) {
    %c0_i32 = arith.constant 0 : i32
    %c0_i32_0 = arith.constant 0 : i32
    %c0_i32_1 = arith.constant 0 : i32
    return %c0_i32, %c0_i32_0 : i32, i32
  }
  func.func @transform_42(%arg0: i32) -> (i32, i32) {
    %c0_i32 = arith.constant 0 : i32
    %c0_i32_0 = arith.constant 0 : i32
    %c0_i32_1 = arith.constant 0 : i32
    return %c0_i32, %c0_i32_0 : i32, i32
  }
  func.func @transform_43(%arg0: i32) -> (i32, i32) {
    %c0_i32 = arith.constant 0 : i32
    %c0_i32_0 = arith.constant 0 : i32
    %c0_i32_1 = arith.constant 0 : i32
    return %c0_i32, %c0_i32_0 : i32, i32
  }
  func.func @transform_44(%arg0: i32) -> (i32, i32) {
    %c0_i32 = arith.constant 0 : i32
    %c0_i32_0 = arith.constant 0 : i32
    %c0_i32_1 = arith.constant 0 : i32
    return %c0_i32, %c0_i32_0 : i32, i32
  }
  func.func @transform_45(%arg0: i32) -> (i32, i32) {
    %c0_i32 = arith.constant 0 : i32
    %c0_i32_0 = arith.constant 0 : i32
    %c0_i32_1 = arith.constant 0 : i32
    return %c0_i32, %c0_i32_0 : i32, i32
  }
  func.func @transform_46(%arg0: i32) -> (i32, i32) {
    %c0_i32 = arith.constant 0 : i32
    %c0_i32_0 = arith.constant 0 : i32
    %c0_i32_1 = arith.constant 0 : i32
    return %c0_i32, %c0_i32_0 : i32, i32
  }
  func.func @transform_47(%arg0: i32) -> (i32, i32) {
    %c0_i32 = arith.constant 0 : i32
    %c0_i32_0 = arith.constant 0 : i32
    %c0_i32_1 = arith.constant 0 : i32
    return %c0_i32, %c0_i32_0 : i32, i32
  }
  func.func @transform_48(%arg0: i32) -> (i32, i32) {
    %c0_i32 = arith.constant 0 : i32
    %c0_i32_0 = arith.constant 0 : i32
    %c0_i32_1 = arith.constant 0 : i32
    return %c0_i32, %c0_i32_0 : i32, i32
  }
  func.func @transform_49(%arg0: i32) -> (i32, i32) {
    %c0_i32 = arith.constant 0 : i32
    %c0_i32_0 = arith.constant 0 : i32
    %c0_i32_1 = arith.constant 0 : i32
    return %c0_i32, %c0_i32_0 : i32, i32
  }
  func.func @transform_50(%arg0: i32) -> (i32, i32) {
    %c0_i32 = arith.constant 0 : i32
    %c0_i32_0 = arith.constant 0 : i32
    %c0_i32_1 = arith.constant 0 : i32
    return %c0_i32, %c0_i32_0 : i32, i32
  }
  func.func @transform_51(%arg0: i32) -> (i32, i32) {
    %c0_i32 = arith.constant 0 : i32
    %c0_i32_0 = arith.constant 0 : i32
    %c0_i32_1 = arith.constant 0 : i32
    return %c0_i32, %c0_i32_0 : i32, i32
  }
  func.func @transform_52(%arg0: i32) -> (i32, i32) {
    %c0_i32 = arith.constant 0 : i32
    %c0_i32_0 = arith.constant 0 : i32
    %c0_i32_1 = arith.constant 0 : i32
    return %c0_i32, %c0_i32_0 : i32, i32
  }
  func.func @transform_53(%arg0: i32) -> (i32, i32) {
    %c0_i32 = arith.constant 0 : i32
    %c0_i32_0 = arith.constant 0 : i32
    %c0_i32_1 = arith.constant 0 : i32
    return %c0_i32, %c0_i32_0 : i32, i32
  }
  func.func @transform_54(%arg0: i32) -> (i32, i32) {
    %c0_i32 = arith.constant 0 : i32
    %c0_i32_0 = arith.constant 0 : i32
    %c0_i32_1 = arith.constant 0 : i32
    return %c0_i32, %c0_i32_0 : i32, i32
  }
  func.func @transform_55(%arg0: i32) -> (i32, i32) {
    %c0_i32 = arith.constant 0 : i32
    %c0_i32_0 = arith.constant 0 : i32
    %c0_i32_1 = arith.constant 0 : i32
    return %c0_i32, %c0_i32_0 : i32, i32
  }
  func.func @transform_56(%arg0: i32) -> (i32, i32) {
    %c0_i32 = arith.constant 0 : i32
    %c0_i32_0 = arith.constant 0 : i32
    %c0_i32_1 = arith.constant 0 : i32
    return %c0_i32, %c0_i32_0 : i32, i32
  }
  func.func @transform_57(%arg0: i32) -> (i32, i32) {
    %c0_i32 = arith.constant 0 : i32
    %c0_i32_0 = arith.constant 0 : i32
    %c0_i32_1 = arith.constant 0 : i32
    return %c0_i32, %c0_i32_0 : i32, i32
  }
  func.func @transform_58(%arg0: i32) -> (i32, i32) {
    %c0_i32 = arith.constant 0 : i32
    %c0_i32_0 = arith.constant 0 : i32
    %c0_i32_1 = arith.constant 0 : i32
    return %c0_i32, %c0_i32_0 : i32, i32
  }
  func.func @transform_59(%arg0: i32) -> (i32, i32) {
    %c0_i32 = arith.constant 0 : i32
    %c0_i32_0 = arith.constant 0 : i32
    %c0_i32_1 = arith.constant 0 : i32
    return %c0_i32, %c0_i32_0 : i32, i32
  }
  func.func @transform_60(%arg0: i32) -> (i32, i32) {
    %c0_i32 = arith.constant 0 : i32
    %c0_i32_0 = arith.constant 0 : i32
    %c0_i32_1 = arith.constant 0 : i32
    return %c0_i32, %c0_i32_0 : i32, i32
  }
  func.func @transform_61(%arg0: i32) -> (i32, i32) {
    %c0_i32 = arith.constant 0 : i32
    %c0_i32_0 = arith.constant 0 : i32
    %c0_i32_1 = arith.constant 0 : i32
    return %c0_i32, %c0_i32_0 : i32, i32
  }
  func.func @transform_62(%arg0: i32) -> (i32, i32) {
    %c0_i32 = arith.constant 0 : i32
    %c0_i32_0 = arith.constant 0 : i32
    %c0_i32_1 = arith.constant 0 : i32
    return %c0_i32, %c0_i32_0 : i32, i32
  }
  func.func @transform_63(%arg0: i32) -> (i32, i32) {
    %c0_i32 = arith.constant 0 : i32
    %c0_i32_0 = arith.constant 0 : i32
    %c0_i32_1 = arith.constant 0 : i32
    return %c0_i32, %c0_i32_0 : i32, i32
  }
  func.func @transform_64(%arg0: i32) -> (i32, i32) {
    %c0_i32 = arith.constant 0 : i32
    %c0_i32_0 = arith.constant 0 : i32
    %c0_i32_1 = arith.constant 0 : i32
    return %c0_i32, %c0_i32_0 : i32, i32
  }
  func.func @transform_65(%arg0: i32) -> (i32, i32) {
    %c0_i32 = arith.constant 0 : i32
    %c0_i32_0 = arith.constant 0 : i32
    %c0_i32_1 = arith.constant 0 : i32
    return %c0_i32, %c0_i32_0 : i32, i32
  }
  func.func @transform_66(%arg0: i32) -> (i32, i32) {
    %c0_i32 = arith.constant 0 : i32
    %c0_i32_0 = arith.constant 0 : i32
    %c0_i32_1 = arith.constant 0 : i32
    return %c0_i32, %c0_i32_0 : i32, i32
  }
  func.func @transform_67(%arg0: i32) -> (i32, i32) {
    %c0_i32 = arith.constant 0 : i32
    %c0_i32_0 = arith.constant 0 : i32
    %c0_i32_1 = arith.constant 0 : i32
    return %c0_i32, %c0_i32_0 : i32, i32
  }
  func.func @transform_68(%arg0: i32) -> (i32, i32) {
    %c0_i32 = arith.constant 0 : i32
    %c0_i32_0 = arith.constant 0 : i32
    %c0_i32_1 = arith.constant 0 : i32
    return %c0_i32, %c0_i32_0 : i32, i32
  }
  func.func @transform_69(%arg0: i32) -> (i32, i32) {
    %c0_i32 = arith.constant 0 : i32
    %c0_i32_0 = arith.constant 0 : i32
    %c0_i32_1 = arith.constant 0 : i32
    return %c0_i32, %c0_i32_0 : i32, i32
  }
  func.func @transform_70(%arg0: i32) -> (i32, i32) {
    %c0_i32 = arith.constant 0 : i32
    %c0_i32_0 = arith.constant 0 : i32
    %c0_i32_1 = arith.constant 0 : i32
    return %c0_i32, %c0_i32_0 : i32, i32
  }
  func.func @transform_71(%arg0: i32) -> (i32, i32) {
    %c0_i32 = arith.constant 0 : i32
    %c0_i32_0 = arith.constant 0 : i32
    %c0_i32_1 = arith.constant 0 : i32
    return %c0_i32, %c0_i32_0 : i32, i32
  }
  func.func @transform_72(%arg0: i32) -> (i32, i32) {
    %c0_i32 = arith.constant 0 : i32
    %c0_i32_0 = arith.constant 0 : i32
    %c0_i32_1 = arith.constant 0 : i32
    return %c0_i32, %c0_i32_0 : i32, i32
  }
  func.func @transform_73(%arg0: i32) -> (i32, i32) {
    %c0_i32 = arith.constant 0 : i32
    %c0_i32_0 = arith.constant 0 : i32
    %c0_i32_1 = arith.constant 0 : i32
    return %c0_i32, %c0_i32_0 : i32, i32
  }
  func.func @transform_74(%arg0: i32) -> (i32, i32) {
    %c0_i32 = arith.constant 0 : i32
    %c0_i32_0 = arith.constant 0 : i32
    %c0_i32_1 = arith.constant 0 : i32
    return %c0_i32, %c0_i32_0 : i32, i32
  }
  func.func @transform_75(%arg0: i32) -> (i32, i32) {
    %c0_i32 = arith.constant 0 : i32
    %c0_i32_0 = arith.constant 0 : i32
    %c0_i32_1 = arith.constant 0 : i32
    return %c0_i32, %c0_i32_0 : i32, i32
  }
  func.func @transform_76(%arg0: i32) -> (i32, i32) {
    %c0_i32 = arith.constant 0 : i32
    %c0_i32_0 = arith.constant 0 : i32
    %c0_i32_1 = arith.constant 0 : i32
    return %c0_i32, %c0_i32_0 : i32, i32
  }
  func.func @transform_77(%arg0: i32) -> (i32, i32) {
    %c0_i32 = arith.constant 0 : i32
    %c0_i32_0 = arith.constant 0 : i32
    %c0_i32_1 = arith.constant 0 : i32
    return %c0_i32, %c0_i32_0 : i32, i32
  }
  func.func @transform_78(%arg0: i32) -> (i32, i32) {
    %c0_i32 = arith.constant 0 : i32
    %c0_i32_0 = arith.constant 0 : i32
    %c0_i32_1 = arith.constant 0 : i32
    return %c0_i32, %c0_i32_0 : i32, i32
  }
  func.func @transform_79(%arg0: i32) -> (i32, i32) {
    %c0_i32 = arith.constant 0 : i32
    %c0_i32_0 = arith.constant 0 : i32
    %c0_i32_1 = arith.constant 0 : i32
    return %c0_i32, %c0_i32_0 : i32, i32
  }
  func.func @transform_80(%arg0: i32) -> (i32, i32) {
    %c0_i32 = arith.constant 0 : i32
    %c0_i32_0 = arith.constant 0 : i32
    %c0_i32_1 = arith.constant 0 : i32
    return %c0_i32, %c0_i32_0 : i32, i32
  }
  func.func @transform_81(%arg0: i32) -> (i32, i32) {
    %c0_i32 = arith.constant 0 : i32
    %c0_i32_0 = arith.constant 0 : i32
    %c0_i32_1 = arith.constant 0 : i32
    return %c0_i32, %c0_i32_0 : i32, i32
  }
  func.func @transform_82(%arg0: i32) -> (i32, i32) {
    %c0_i32 = arith.constant 0 : i32
    %c0_i32_0 = arith.constant 0 : i32
    %c0_i32_1 = arith.constant 0 : i32
    return %c0_i32, %c0_i32_0 : i32, i32
  }
  func.func @transform_83(%arg0: i32) -> (i32, i32) {
    %c0_i32 = arith.constant 0 : i32
    %c0_i32_0 = arith.constant 0 : i32
    %c0_i32_1 = arith.constant 0 : i32
    return %c0_i32, %c0_i32_0 : i32, i32
  }
  func.func @transform_84(%arg0: i32) -> (i32, i32) {
    %c0_i32 = arith.constant 0 : i32
    %c0_i32_0 = arith.constant 0 : i32
    %c0_i32_1 = arith.constant 0 : i32
    return %c0_i32, %c0_i32_0 : i32, i32
  }
  func.func @transform_85(%arg0: i32) -> (i32, i32) {
    %c0_i32 = arith.constant 0 : i32
    %c0_i32_0 = arith.constant 0 : i32
    %c0_i32_1 = arith.constant 0 : i32
    return %c0_i32, %c0_i32_0 : i32, i32
  }
  func.func @transform_86(%arg0: i32) -> (i32, i32) {
    %c0_i32 = arith.constant 0 : i32
    %c0_i32_0 = arith.constant 0 : i32
    %c0_i32_1 = arith.constant 0 : i32
    return %c0_i32, %c0_i32_0 : i32, i32
  }
  func.func @transform_87(%arg0: i32) -> (i32, i32) {
    %c0_i32 = arith.constant 0 : i32
    %c0_i32_0 = arith.constant 0 : i32
    %c0_i32_1 = arith.constant 0 : i32
    return %c0_i32, %c0_i32_0 : i32, i32
  }
  func.func @transform_88(%arg0: i32) -> (i32, i32) {
    %c0_i32 = arith.constant 0 : i32
    %c0_i32_0 = arith.constant 0 : i32
    %c0_i32_1 = arith.constant 0 : i32
    return %c0_i32, %c0_i32_0 : i32, i32
  }
  func.func @transform_89(%arg0: i32) -> (i32, i32) {
    %c0_i32 = arith.constant 0 : i32
    %c0_i32_0 = arith.constant 0 : i32
    %c0_i32_1 = arith.constant 0 : i32
    return %c0_i32, %c0_i32_0 : i32, i32
  }
  func.func @transform_90(%arg0: i32) -> (i32, i32) {
    %c0_i32 = arith.constant 0 : i32
    %c0_i32_0 = arith.constant 0 : i32
    %c0_i32_1 = arith.constant 0 : i32
    return %c0_i32, %c0_i32_0 : i32, i32
  }
  func.func @transform_91(%arg0: i32) -> (i32, i32) {
    %c0_i32 = arith.constant 0 : i32
    %c0_i32_0 = arith.constant 0 : i32
    %c0_i32_1 = arith.constant 0 : i32
    return %c0_i32, %c0_i32_0 : i32, i32
  }
  func.func @transform_92(%arg0: i32) -> (i32, i32, i32) {
    %c0_i32 = arith.constant 0 : i32
    %c0_i32_0 = arith.constant 0 : i32
    %c0_i32_1 = arith.constant 0 : i32
    return %arg0, %c0_i32, %c0_i32_0 : i32, i32, i32
  }
}

</mosaic_0001>

<sc_bundles>
// kernel: scatter_offload_async_start
scs
__scs_entry_jumppad:
0x0: {  	(pc) =	sbr.rel $0x88, $3  }
0x1: {  	(tag) =	ssettag $0x0;
	lr =	simm.s32 $0x1  }
0x2: {  	[smem:$0x3F3F] =	sst lr;
	_ =	strace $0xD0000000  }
0x3: {  	_ = 	snop  }
0x4: {  	_ = 	snop  }
0x5: {  	_ = 	snop  }
0x6: {  	_ = 	snop  }
0x7: {  	_ = 	snop  }
__scs_overlays_trampoline_lowered:
0x8: {  	[smem:$0x3F4E] =	sst s0  }
0x9: {  	[smem:$0x3F4F] =	sst s1  }
0xa: {  	[smem:$0x3F50] =	sst s2  }
0xb: {  	[smem:$0x3F51] =	sst s3  }
0xc: {  	[smem:$0x3F52] =	sst s4  }
0xd: {  	[smem:$0x3F53] =	sst s5  }
0xe: {  	[smem:$0x3F54] =	sst s6  }
0xf: {  	[smem:$0x3F55] =	sst s7  }
0x10: {  	[smem:$0x3F56] =	sst s8  }
0x11: {  	[smem:$0x3F57] =	sst s9;
	s0 =	simm.s32 @!p0 $0x0  }
0x12: {  	s1 =	sld [smem:$0x3F3D];
	s0 =	simm.s32 @p0 $0x1  }
0x13: {  	[smem:$0x3F58] =	sst s0;
	s0 =	simm.s32 @!p1 $0x0  }
0x14: {  	s2 =	sld [smem:$0x3F3C];
	s0 =	simm.s32 @p1 $0x1  }
0x15: {  	[smem:$0x3F59] =	sst s0;
	s0 =	simm.s32 @!p2 $0x0  }
0x16: {  	s3 =	sld [smem:$0x3FDB];
	s0 =	simm.s32 @p2 $0x1  }
0x17: {  	s4 =	simm.s32 $0x1BF5;
	[smem:$0x3F5B] =	sst s0  }
0x18: {  	s0 =	sld [smem:$0x3F3E];
	_ =	swait.ge [sflag:s4], $0x0  }
0x19: {  	s7 =	sld [smem:$0x3F3F]  }
0x1a: {  	s8 =	sadd.s32 $0xFFFFE003, lr  }
0x1b: {  	s9 =	sadd.s32 $0xFFFFFEF7, lr;
	s5 =	simm.s32 $0xFFFFFFFF;
	p2 =	slt.u32 s8, $0xFFFFF086  }
0x1c: {  	p1 =	slt.u32 s9, $0xF7A;
	s5 =	simm.s32 @!p2 $0x0  }
0x1d: {  	s5 =	simm.s32 @p1 $0x1;
	p0 =	seq.s32 s7, s2  }
0x1e: {  	s7 =	smul.u32 @!p0 $0xF7A, s2;
	p2 =	seq.s32 @!p0 s5, $0x0  }
0x1f: {  	s9 =	smul.u32 $0xF7A, s1;
	s8 =	simm.s32 @!p0 $0x1BF5;
	p2 =	por !p2, p0  }
0x20: {  	[sflag:s8] =	ssyncset.s32 @!p0 $0xFFFFF086;
	s6 =	sadd.s32 @!p0 s3, s7;
	s7 =	simm.s32 @!p0 $0x108  }
0x21: {  	s3 =	sadd.s32 s3, s9;
	s6 =	sadd.s32 @!p0 $0x88, s6;
	s7 =	simm.s32 @p2 $0x1082  }
0x22: {  	[simem:s7], [sflag:s8] =	dma.local @!p0 [hbm:s6], $0xF7A  }
0x23: {  	s9 =	sor.u32 $0xD0000000, s2;
	s6 =	simm.s32 $0x108;
	_ =	swait.ge @!p0 [sflag:s8], $0x0  }
0x24: {  	s3 =	sadd.s32 $0x88, s3;
	s6 =	simm.s32 @!p1 $0x1082;
	[sflag:s4] =	ssyncset.s32 $0xFFFFF086  }
0x25: {  	[simem:s6], [sflag:s4] =	dma.local [hbm:s3], $0xF7A  }
0x26: {  	[smem:$0x3F3F] =	sst s1;
	(tag) =	ssettag s2;
	_ =	strace s9  }
0x27: {  	s1 =	sld [smem:$0x3F4F]  }
0x28: {  	s2 =	sld [smem:$0x3F50]  }
0x29: {  	s4 =	sld [smem:$0x3F52]  }
0x2a: {  	p0 =	seq.s32 s5, $0x0;
	s5 =	sld [smem:$0x3F53]  }
0x2b: {  	s6 =	sld [smem:$0x3F54]  }
0x2c: {  	s7 =	sld [smem:$0x3F55]  }
0x2d: {  	s3 =	simm.s32 $0x108;
	s8 =	sld [smem:$0x3F56]  }
0x2e: {  	s3 =	simm.s32 @!p0 $0x1082;
	s9 =	sld [smem:$0x3F57]  }
0x2f: {  	lr =	sadd.s32 s0, s3;
	s0 =	sld [smem:$0x3F4E]  }
0x30: {  	s3 =	sld [smem:$0x3F51]  }
0x31: {  	[smem:$0x3F5A] =	sst s10  }
0x32: {  	s10 =	sld [smem:$0x3F58];
	_ =	sdelay $0x3  }
0x33: {  	p0 =	seq.s32 s10, $0x1;
	s10 =	sld [smem:$0x3F5A];
	_ =	sdelay $0x3  }
0x34: {  	[smem:$0x3F5A] =	sst s10  }
0x35: {  	s10 =	sld [smem:$0x3F59];
	_ =	sdelay $0x3  }
0x36: {  	p1 =	seq.s32 s10, $0x1;
	s10 =	sld [smem:$0x3F5A];
	_ =	sdelay $0x3  }
0x37: {  	[smem:$0x3F5A] =	sst s10  }
0x38: {  	s10 =	sld [smem:$0x3F5B]  }
0x39: {  	_ = 	snop;
	(pc) =	sbr.ind lr, $3  }
0x3a: {  	_ = 	snop  }
0x3b: {  	_ = 	snop  }
0x3c: {  	p2 =	seq.s32 s10, $0x1;
	s10 =	sld [smem:$0x3F5A]  }
0x3d: {  	_ =	shalt  }
0x3e: {  	_ =	shalt  }
0x3f: {  	_ =	shalt  }
0x40: {  	_ =	shalt  }
0x41: {  	_ =	shalt  }
0x42: {  	_ =	shalt  }
0x43: {  	_ =	shalt  }
0x44: {  	_ =	shalt  }
0x45: {  	_ =	shalt  }
0x46: {  	_ =	shalt  }
0x47: {  	_ =	shalt  }
0x48: {  	_ =	shalt  }
0x49: {  	_ =	shalt  }
0x4a: {  	_ =	shalt  }
0x4b: {  	_ =	shalt  }
0x4c: {  	_ =	shalt  }
0x4d: {  	_ =	shalt  }
0x4e: {  	_ =	shalt  }
0x4f: {  	_ =	shalt  }
0x50: {  	_ =	shalt  }
0x51: {  	_ =	shalt  }
0x52: {  	_ =	shalt  }
0x53: {  	_ =	shalt  }
0x54: {  	_ =	shalt  }
0x55: {  	_ =	shalt  }
0x56: {  	_ =	shalt  }
0x57: {  	_ =	shalt  }
0x58: {  	_ =	shalt  }
0x59: {  	_ =	shalt  }
0x5a: {  	_ =	shalt  }
0x5b: {  	_ =	shalt  }
0x5c: {  	_ =	shalt  }
0x5d: {  	_ =	shalt  }
0x5e: {  	_ =	shalt  }
0x5f: {  	_ =	shalt  }
0x60: {  	_ =	shalt  }
0x61: {  	_ =	shalt  }
0x62: {  	_ =	shalt  }
0x63: {  	_ =	shalt  }
0x64: {  	_ =	shalt  }
0x65: {  	_ =	shalt  }
0x66: {  	_ =	shalt  }
0x67: {  	_ =	shalt  }
0x68: {  	_ =	shalt  }
0x69: {  	_ =	shalt  }
0x6a: {  	_ =	shalt  }
0x6b: {  	_ =	shalt  }
0x6c: {  	_ =	shalt  }
0x6d: {  	_ =	shalt  }
0x6e: {  	_ =	shalt  }
0x6f: {  	_ =	shalt  }
0x70: {  	_ =	shalt  }
0x71: {  	_ =	shalt  }
0x72: {  	_ =	shalt  }
0x73: {  	_ =	shalt  }
0x74: {  	_ =	shalt  }
0x75: {  	_ =	shalt  }
0x76: {  	_ =	shalt  }
0x77: {  	_ =	shalt  }
0x78: {  	_ =	shalt  }
0x79: {  	_ =	shalt  }
0x7a: {  	_ =	shalt  }
0x7b: {  	_ =	shalt  }
0x7c: {  	_ =	shalt  }
0x7d: {  	_ =	shalt  }
0x7e: {  	_ =	shalt  }
0x7f: {  	_ =	shalt  }
0x80: {  	_ =	shalt  }
0x81: {  	_ =	shalt  }
0x82: {  	_ =	shalt  }
0x83: {  	_ =	shalt  }
0x84: {  	_ =	shalt  }
0x85: {  	_ =	shalt  }
0x86: {  	_ =	shalt  }
0x87: {  	_ =	shalt  }
.Lfunc_end0:
.L_simem_size_0:
called_computation_lowered:
.L_overlay_start_0:
0x88: {  	s0 =	sld [smem:$0x3FD9]  }
0x89: {  	s1 =	sld [smem:$0x3FFE];
	_ =	sdelay $0x3  }
0x8a: {  	s0 =	sadd.s32 s1, s0  }
0x8b: {  	[smem:$0x3F66] =	sst s0  }
0x8c: {  	_ = 	snop  }
0x8d: {  	s0 =	sld [smem:$0x3FD0];
	(tm) =	ssettm $0x1  }
0x8e: {  	s16 =	sld [smem:$0x3FFB];
	_ =	sdelay $0x3  }
0x8f: {  	_ =	strace s16  }
0x90: {  	s1 =	sld [smem:$0x3FFC];
	_ =	sdelay $0x3  }
0x91: {  	_ =	strace s1  }
0x92: {  	s1 =	sld [smem:$0x3FFD];
	_ =	sdelay $0x3  }
0x93: {  	_ =	strace s1  }
0x94: {  	_ =	strace $0x8FFFFFFF  }
0x95: {  	s17 =	sld [smem:$0x3FDB];
	_ =	sdelay $0x1  }
0x96: {  	s2 =	simm.s32 $_scs_section_size  }
0x97: {  	s3 =	simm.s32 $_size__tile_overlayer_lowered;
	s4 =	simm.s32 $_tile_overlayer_lowered  }
0x98: {  	s20 =	simm.s32 $0x1BFF;
	s19 =	sshll.u32 s4, $0x1;
	s1 =	sadd.s32 s2, s17  }
0x99: {  	s5 =	simm.s32 $0x0;
	s18 =	sshll.u32 s3, $0x1;
	s3 =	sadd.s32 s19, s1  }
0x9a: {  	[timem:s5], [sflag:s20] =	dma.local [hbm:s3], s18  }
0x9b: {  	_ =	swait.ge [sflag:s20], s18  }
0x9c: {  	s2 =	ssub.s32 $0x0, s18;
	[sflag:s20] =	ssyncset.done $0x0  }
0x9d: {  	[sflag:s20] =	ssyncadd.s32 s2;
	_ =	sdelay $0x1  }
0x9e: {  	s21 =	simm.s32 $0x1B8B  }
0x9f: {  	_ =	swait.ge [sflag:s21], $0x1  }
0xa0: {  	[sflag:s21] =	ssyncset.done $0x0  }
0xa1: {  	s23 =	simm.s32 $0x1B8E;
	s22 =	sld [smem:$0x3FFE];
	[sflag:s21] =	ssyncadd.s32 $0xFFFFFFFF  }
0xa2: {  	s24 =	simm.s32 $execute0_lowered;
	[smem:$0x3FD2] =	sst s23  }
0xa3: {  	s3 =	sshll.u32 s24, $0x1;
	_ =	strace $0x80000046;
	[dreg:$0x1] =	wrdreg $0xFFFFFFFF  }
0xa4: {  	s25 =	simm.s32 $_size_execute0_lowered;
	s1 =	sadd.s32 s1, s3;
	[dreg:$0x0] =	wrdreg $0x0  }
0xa5: {  	s3 =	sshll.u32 s25, $0x1;
	[dreg:$0x2] =	wrdreg s1  }
0xa6: {  	[dreg:$0x3] =	wrdreg s3  }
0xa7: {  	[dreg:$0x4] =	wrdreg $0xC0  }
0xa8: {  	_ =	task [dreg:s5], $0x5FFFF  }
0xa9: {  	[dreg:$0x1] =	wrdreg $0xFFFFFFFF  }
0xaa: {  	[dreg:$0x0] =	wrdreg $0x60  }
0xab: {  	[dreg:$0x2] =	wrdreg s0  }
0xac: {  	[dreg:$0x3] =	wrdreg s22  }
0xad: {  	[dreg:$0x4] =	wrdreg $0x9  }
0xae: {  	_ =	task.clear_ibuf [dreg:s5], $0x5FFFF;
	_ =	strace $0x90000046  }
0xaf: {  	s26 =	simm.s32 $0x9;
	_ =	strace $0x80000048  }
0xb0: {  	_ =	swait.ge [sflag:s26], $0x1  }
0xb1: {  	[sflag:s26] =	ssyncadd.s32 $0xFFFFFFFF  }
0xb2: {  	_ =	strace $0x90000048  }
0xb3: {  	_ =	sfence  }
0xb4: {  	s28 =	sld [smem:$0x0];
	_ =	sdelay $0x1  }
0xb5: {  	s29 =	srdreg.scid  }
0xb6: {  	s30 =	sshll.u32 s29, $0xD;
	s31 =	sshrl.u32 s29, $0x2  }
0xb7: {  	s2 =	sand.u32 $0x4000, s30;
	s1 =	sand.u32 $0x1, s29;
	s0 =	sadd.s32 s31, s28  }
0xb8: {  	s1 =	sor.u32 s2, s1;
	s0 =	sshll.u32 s0, $0x11  }
0xb9: {  	s0 =	sor.u32 s0, s1  }
0xba: {  	s0 =	sadd.s32 $0x8F2B, s0  }
0xbb: {  	[sflag:s0] =	ssyncadd.remote.s32 $0x1  }
0xbc: {  	_ =	sfence.sel $0xFFFF  }
0xbd: {  	[dreg:$0x0] =	wrdreg $0xFFFFFFFF;
	(pc) =	sbr.abs _section_cstart, $3  }
0xbe: {  	[dreg:$0x1] =	wrdreg $0xFFFFFFFF  }
0xbf: {  	_ =	task.clear_ibuf [dreg:s5], $0x2FFFF;
	_ =	strace $0x9FFFFFFF  }
0xc0: {  	(tm) =	ssettm $0x7FFFFFFF  }
0xc1: {  	_ =	shalt  }
tec
execute0_lowered:
.L_overlay_start_1:
0x0: {  	(tag) =	ssettag $0x1  }
0x1: {  	s1 =	rddreg [dreg:$0x0]  }
0x2: {  	s7 =	rddreg [dreg:$0x1]  }
0x3: {  	s0 =	rddreg [dreg:$0x2]  }
0x4: {  	s3 =	stileid.u32;
	_ =	strace $0x80000047;
	s4 =	simm.s32 $0x3E  }
0x5: {  	p0 =	sne.s32 s3, $0x0;
	[sflag:s4] =	ssyncpa.u1 $0x0  }
0x6: {  	s30 =	smin.u32 s3, $0x4;
	s2 =	simm.s32 @!p0 $0x1C3E;
	s5 =	simm.s32 @!p0 $0x0  }
0x7: {  	[spmem:s5], [sflag:s2] =	dma.local @!p0 [hbm:s1], $0x10  }
0x8: {  	s2 =	sadd.s32 s3, s30  }
0x9: {  	p1 =	slt.u32 s3, $0x4;
	s3 =	simm.s32 $0x3E80;
	s2 =	smul.u32 $0x1F40, s2  }
0xa: {  	s3 =	simm.s32 @!p1 $0x1F40  }
0xb: {  	s3 =	sadd.s32 s3, s2  }
0xc: {  	s3 =	smin.u32 s3, $0x27100  }
0xd: {  	s8 =	ssub.s32 s3, s2  }
0xe: {  	p1 =	sgt.s32 s8, $0x0  }
0xf: {  	s8 =	simm.s32 @!p1 $0x0  }
0x10: {  	s5 =	simm.s32 @!p0 $0x3E;
	s31 =	smulhi.u32 $0x10624DD3, s8  }
0x11: {  	_ =	swait.ge @!p0 [sflag:s5], $0x10  }
0x12: {  	s6 =	simm.s32 $0x2;
	[sflag:s5] =	ssyncset.done @!p0 $0x0;
	s9 =	sshrl.u32 s31, $0x9  }
0x13: {  	s11 =	simm.s32 $0x0;
	[sflag:s5] =	ssyncadd.s32 @!p0 $0xFFFFFFF0;
	s10 =	smul.u32 $0x1F40, s9  }
.Ltmp0:
0x14: {  	s5 =	sadd.s32 $0x509E00, s7;
	[bflag:$0x0] =	sbarrier.arrive $0xFFFF;
	(pc) =	sbr.rel .LBB2_1-.Ltmp0, $4  }
0x15: {  	s7 =	sadd.s32 $0x795400, s7;
	[sflag:s4] =	ssyncpa.u1 $0x1;
	s4 =	simm.s32 $0x1  }
0x16: {  	[sflag:s4] =	ssyncpa.u1 $0x0;
	p1 =	sne.s32 s8, s10;
	s8 =	simm.s32 $0x1  }
0x17: {  	(ifvalue) =	ssetifvalue $0x80;
	[sflag:s6] =	ssyncpa.u1 $0x0;
	s8 =	simm.s32 @!p1 $0x0  }
0x18: {  	vm0 =	vmmov $0xffff;
	s10 =	smov.u32 s2;
	s8 =	sadd.s32 s8, s9;
	s9 =	simm.s32 $0x0  }
.LBB2_5:
0x19: {  	p2 =	sne.s32 s11, s8  }
.Ltmp1:
0x1a: {  	_ = 	snop;
	(pc) =	sbr.rel @!p2 .LBB2_6-.Ltmp1, $4  }
0x1b: {  	_ = 	snop  }
0x1c: {  	s12 =	sadd.s32 $0x1F40, s10  }
0x1d: {  	s10 =	smov.u32 s2;
	s13 =	sadd.s32 $0x1, s11;
	p1 =	slt.s32 s12, s3  }
0x1e: {  	s11 =	smov.u32 s13;
	s10 =	smov.u32 @p1 s12  }
.LBB2_1:
0x1f: {  	p1 =	sge.u32 s11, s8  }
0x20: {  	s12 =	sxor.u32 @!p1 $0xFFFFFFFF, s11  }
0x21: {  	s12 =	sand.u32 @!p1 $0x1, s12  }
0x22: {  	s12 =	smul.u32 @!p1 $0x1F40, s12  }
0x23: {  	s13 =	sshrl.u32 @!p1 s10, $0x3  }
0x24: {  	s16 =	sand.u32 @!p1 $0x7, s10;
	s14 =	sadd.s32 @!p1 s5, s13;
	s15 =	sor.u32 @!p1 $0x8, s12  }
0x25: {  	[tilespmem:s15], [sflag:$0x2] =	stream.linear.gather @!p1 [hbm4b:s14+s16], $0x1F40, $0x38;
	[tilespmem:$0x7D08] =	vst v63  }
0x26: {  	s13 =	sadd.s32 @!p1 s7, s13;
	s12 =	sadd.s32 @!p1 $0x3E88, s12  }
0x27: {  	[tilespmem:s12], [sflag:$0x2] =	stream.linear.gather @!p1 [hbm4b:s13+s16], $0x1F40, $0x38;
	[tilespmem:$0x7D08] =	vst v63  }
0x28: {  	p1 =	seq.s32 s11, $0x0  }
.Ltmp2:
0x29: {  	_ = 	snop;
	(pc) =	sbr.rel @p1 .LBB2_5-.Ltmp2, $1  }
0x2a: {  	_ =	sdelay $0x3  }
0x2b: {  	s12 =	sand.u32 $0x1, s11  }
0x2c: {  	_ =	swait.ge [sflag:s6], $0x3E80;
	p1 =	seq.s32 s12, $0x1;
	s12 =	simm.s32 $0x1F40  }
0x2d: {  	[sflag:s6] =	ssyncset.done $0x0;
	s12 =	simm.s32 @!p1 $0x0  }
0x2e: {  	[sflag:s6] =	ssyncadd.s32 $0xFFFFC180;
	s14 =	sor.u32 $0x8, s12  }
0x2f: {  	v0 =	vld.msk [tilespmem:s14+$0x0 ss:$0x1], $0xffff;
	_ =	sdelay $0x4  }
0x30: {  	v0 =	vmin.u32 v0, $0x80;
	_ =	sdelay $0x3  }
0x31: {  	s13 =	simm.s32 $0x0;
	s12 =	sadd.s32 $0x3E88, s12;
	s14 =	sadd.s32 $0x10, s14  }
0x32: {  	[spmem:s9] =	stream.indirect_vreg.scatter.add.s32 [tilespmem:s12], [sflag:$0x1], $0x1, v0, vm0, $0x4038;
	[tilespmem:$0x7D08] =	vst v63  }
.LBB2_3:
0x33: {  	v0 =	vld.msk [tilespmem:s14+$0x0 ss:$0x1], $0xffff;
	s13 =	sadd.s32 $0x10, s13  }
0x34: {  	p1 =	slt.u32 s13, $0x1F30;
	_ =	sdelay $0x4  }
0x35: {  	v0 =	vmin.u32 v0, $0x80  }
.Ltmp3:
0x36: {  	(pc) =	sbr.rel @p1 .LBB2_3-.Ltmp3, $3  }
0x37: {  	_ =	sdelay $0x1  }
0x38: {  	s14 =	sadd.s32 $0x10, s14;
	s12 =	sadd.s32 $0x10, s12  }
0x39: {  	[spmem:s9] =	stream.indirect_vreg.scatter.add.s32 [tilespmem:s12], [sflag:$0x1], $0x1, v0, vm0, $0x4038;
	[tilespmem:$0x7D08] =	vst v63  }
.Ltmp4:
0x3a: {  	(pc) =	sbr.rel .LBB2_5-.Ltmp4, $4  }
0x3b: {  	_ = 	snop  }
0x3c: {  	_ =	swait.ge [sflag:s4], $0x1F40  }
0x3d: {  	[sflag:s4] =	ssyncset.done $0x0  }
0x3e: {  	[sflag:s4] =	ssyncadd.s32 $0xFFFFE0C0  }
.LBB2_6:
0x3f: {  	_ =	sfence.sel $0x180000  }
0x40: {  	s2 =	simm.s32 $0x2;
	[bflag:$0x0] =	sbarrier.arrive $0xFFFF  }
0x41: {  	s30 =	simm.s32 $0x1;
	[sflag:s2] =	ssyncpa.u1 $0x1  }
0x42: {  	[sflag:s30] =	ssyncpa.u1 $0x1  }
0x43: {  	_ =	sfence.stream.spmem  }
0x44: {  	s31 =	simm.s32 $0x3D;
	[bflag:$0x0] =	sbarrier.arrive $0xFFFF  }
0x45: {  	s2 =	simm.s32 @p0 $0x3D;
	[sflag:s31] =	ssyncpa.u1 $0x0  }
0x46: {  	[sflag:s2] =	ssyncpa.u1 @p0 $0x1  }
0x47: {  	[bflag:$0x0] =	sbarrier.arrive @p0 $0xFFFF  }
0x48: {  	_ =	strace @p0 $0x90000047  }
0x49: {  	s3 =	simm.s32 @!p0 $0x1C3D;
	s2 =	simm.s32 @!p0 $0x0;
	[bflag:$0x2] =	sbarrier.arrive @p0 $0xFFFF  }
0x4a: {  	[hbm:s1], [sflag:s3] =	dma.local @!p0 [spmem:s2], $0x10  }
0x4b: {  	s1 =	simm.s32 @!p0 $0x3D  }
0x4c: {  	_ =	swait.ge @!p0 [sflag:s1], $0x10  }
0x4d: {  	[sflag:s1] =	ssyncset.done @!p0 $0x0  }
0x4e: {  	[sflag:s1] =	ssyncadd.s32 @!p0 $0xFFFFFFF0  }
0x4f: {  	[sflag:s1] =	ssyncpa.u1 @!p0 $0x1  }
0x50: {  	[bflag:$0x0] =	sbarrier.arrive @!p0 $0xFFFF  }
0x51: {  	_ =	strace @!p0 $0x90000047  }
0x52: {  	s0 =	sadd.s32 @!p0 $0x100000, s0;
	[bflag:$0x2] =	sbarrier.arrive @!p0 $0xFFFF  }
0x53: {  	[sflag:s0] =	ssyncadd.tile.s32 @!p0 $0x1;
	_ =	shalt  }
.Lfunc_end2:
_tile_overlayer_lowered:
.L_overlay_start_2:
0x54: {  	(tag) =	ssettag $0x2  }
0x55: {  	s0 =	rddreg [dreg:$0x0];
	s2 =	stileid.u32  }
0x56: {  	s1 =	rddreg [dreg:$0x1];
	p0 =	sne.s32 s2, $0x0  }
0x57: {  	s3 =	rddreg [dreg:$0x2];
	[bflag:$0x3] =	sbarrier.arrive $0xFFFF;
	s2 =	simm.s32 @!p0 $0x1C01  }
0x58: {  	[timem:s3], [sflag:s2] =	dma.local @!p0 [hbm:s0], s1  }
0x59: {  	s0 =	simm.s32 @!p0 $0x1  }
0x5a: {  	_ =	swait.ge @!p0 [sflag:s0], s1  }
0x5b: {  	s1 =	ssub.s32 @!p0 $0x0, s1;
	[sflag:s0] =	ssyncset.done @!p0 $0x0  }
0x5c: {  	[sflag:s0] =	ssyncadd.s32 @!p0 s1  }
0x5d: {  	[bflag:$0x3] =	sbarrier.arrive $0xFFFF  }
0x5e: {  	_ =	shalt  }

</sc_bundles>
